<compile_context>
chip_gen: v7x
topology: tpu7x:2x2x1
jax: 0.10.2.dev20260603
libtpu: 0.0.44.dev20260713+nightly
codegen_flags: <defaults>
</compile_context>

<pallas_src>
import functools

import jax
import jax.numpy as jnp
from jax import lax
from jax.experimental import pallas as pl
from jax.experimental.pallas import tpu as pltpu
from jax.experimental.pallas import tpu_sc as plsc

BATCH = 16384
EMBED_DIM = 64
LANES = 16

_info = plsc.get_sparse_core_info()
_NC, _NS = _info.num_cores, _info.num_subcores
NW = _NC * _NS
BPW = BATCH // NW
GROUPS = BPW // LANES


@functools.partial(
    pl.kernel,
    mesh=plsc.VectorSubcoreMesh(core_axis_name="c", subcore_axis_name="s"),
    compiler_params=pltpu.CompilerParams(
        needs_layout_passes=False, use_tc_tiling_on_sc=False
    ),
    out_type=jax.ShapeDtypeStruct((BATCH,), jnp.float32),
    scratch_types=[
        pltpu.VMEM((BPW,), jnp.int32),
        pltpu.VMEM((BPW,), jnp.int32),
        pltpu.VMEM((BPW, EMBED_DIM), jnp.float32),
        pltpu.VMEM((BPW, EMBED_DIM), jnp.float32),
        pltpu.VMEM((BPW,), jnp.float32),
        pltpu.SemaphoreType.DMA,
        pltpu.SemaphoreType.DMA,
    ],
)
def _sc_dot(uidx_hbm, iidx_hbm, utab_hbm, itab_hbm, out_hbm,
            uidx_v, iidx_v, urows_v, irows_v, out_v, sem_u, sem_i):
    wid = lax.axis_index("s") * _NC + lax.axis_index("c")
    base = wid * BPW

    pltpu.sync_copy(uidx_hbm.at[pl.ds(base, BPW)], uidx_v)
    pltpu.sync_copy(iidx_hbm.at[pl.ds(base, BPW)], iidx_v)

    cp_u = pltpu.async_copy(utab_hbm.at[uidx_v], urows_v, sem_u)
    cp_i = pltpu.async_copy(itab_hbm.at[iidx_v], irows_v, sem_i)
    cp_u.wait()
    cp_i.wait()

    lane = lax.iota(jnp.int32, LANES)

    def group_body(g, carry):
        gv = jnp.zeros((LANES,), jnp.float32)
        for j in range(LANES):
            b = g * LANES + j
            acc = jnp.zeros((LANES,), jnp.float32)
            for c in range(EMBED_DIM // LANES):
                uu = urows_v[b, pl.ds(c * LANES, LANES)]
                vv = irows_v[b, pl.ds(c * LANES, LANES)]
                acc = acc + uu * vv
            r = lax.reduce_sum(acc, axes=(0,))
            gv = jnp.where(lane == j, r, gv)
        out_v[pl.ds(g * LANES, LANES)] = gv
        return carry

    lax.fori_loop(0, GROUPS, group_body, 0)

    pltpu.sync_copy(out_v, out_hbm.at[pl.ds(base, BPW)])


def kernel(user_indices, item_indices, user_table, item_table):
    out = _sc_dot(user_indices.astype(jnp.int32),
                  item_indices.astype(jnp.int32),
                  user_table, item_table)
    return out.reshape(BATCH, 1)

# --- scband reference (transcript-rebuilt; emitter-appended) ---
"""Pipeline reference for scband-matrix-factorization-14113262535119 (READ-ONLY COPY).

The authoritative reference and input builder live on the scoring server;
editing this copy changes nothing except your own understanding.
"""

import jax, jax.numpy as jnp
import numpy as np

NUM_USERS = 1000000
NUM_ITEMS = 1000000
EMBED_DIM = 64
BATCH = 16384

def setup_inputs(seed: int = 0) -> dict:
    key = jax.random.key(seed)
    k1, k2, k3, k4 = jax.random.split(key, 4)
    user_indices = jax.random.randint(k1, (BATCH,), 0, NUM_USERS, dtype=jnp.int64 if jax.config.jax_enable_x64 else jnp.int32)
    item_indices = jax.random.randint(k2, (BATCH,), 0, NUM_ITEMS, dtype=jnp.int64 if jax.config.jax_enable_x64 else jnp.int32)
    user_table = jax.random.normal(k3, (NUM_USERS, EMBED_DIM), dtype=jnp.float32) * 0.01
    item_table = jax.random.normal(k4, (NUM_ITEMS, EMBED_DIM), dtype=jnp.float32) * 0.01
    return {"user_indices": user_indices, "item_indices": item_indices, "user_table": user_table, "item_table": item_table}

def reference(user_indices, item_indices, user_table, item_table):
    user_emb = jnp.take(user_table, user_indices, axis=0)
    item_emb = jnp.take(item_table, item_indices, axis=0)
    return jnp.sum(user_emb * item_emb, axis=1, keepdims=True)

if __name__ == "__main__":
    import jax
    _d = setup_inputs()
    print(jax.jit(kernel)(*tuple(_d.values())))

</pallas_src>

<mosaic_0001>
#map = affine_map<(d0, d1) -> (0)>
#map1 = affine_map<(d0, d1) -> (0, 0)>
module attributes {stable_mosaic.version = 14 : i64} {
  func.func @_sc_dot(%arg0: i32, %arg1: i32, %arg2: memref<16384xi32, #tpu.memory_space<hbm>>, %arg3: memref<16384xi32, #tpu.memory_space<hbm>>, %arg4: memref<1000000x64xf32, #tpu.memory_space<hbm>>, %arg5: memref<1000000x64xf32, #tpu.memory_space<hbm>>, %arg6: memref<16384xf32, #tpu.memory_space<hbm>>, %arg7: memref<512xi32, #tpu.memory_space<vmem>>, %arg8: memref<512xi32, #tpu.memory_space<vmem>>, %arg9: memref<512x64xf32, #tpu.memory_space<vmem>>, %arg10: memref<512x64xf32, #tpu.memory_space<vmem>>, %arg11: memref<512xf32, #tpu.memory_space<vmem>>, %arg12: memref<!tpu.dma_semaphore, #tpu.memory_space<semaphore_mem>>, %arg13: memref<!tpu.dma_semaphore, #tpu.memory_space<semaphore_mem>>) attributes {dimension_semantics = [#tpu.dimension_semantics<core_parallel>, #tpu.dimension_semantics<subcore_parallel>], iteration_bounds = array<i64: 2, 16>, scalar_prefetch = 0 : i64, scratch_operands = 7 : i64, tpu.core_type = #tpu.core_type<sc_vector_subcore>, window_params = [{transform_indices = #map}, {transform_indices = #map}, {transform_indices = #map1}, {transform_indices = #map1}, {transform_indices = #map}]} {
    %mul3A = arith.constant 2 : i32
    %mul3A_0 = arith.muli %arg1, %mul3A : i32
    %add3A = arith.addi %mul3A_0, %arg0 : i32
    %mul3A_1 = arith.constant 512 : i32
    %mul3A_2 = arith.muli %add3A, %mul3A_1 : i32
    "tpu.region"() ({
      %run_scoped3A = tpu.sem_alloc : memref<!tpu.dma_semaphore, #tpu.memory_space<semaphore_mem>>
      %dma_start3A_18 = tpu.memref_slice %arg2[%mul3A_2] : memref<16384xi32, #tpu.memory_space<hbm>> -> memref<512xi32, #tpu.memory_space<hbm>>
      %dma_start3A_19 = tpu.memref_slice %arg2[%mul3A_2] : memref<16384xi32, #tpu.memory_space<hbm>> -> memref<512xi32, #tpu.memory_space<hbm>>
      tpu.enqueue_dma source(%dma_start3A_19 : memref<512xi32, #tpu.memory_space<hbm>>) target(%arg7 : memref<512xi32, #tpu.memory_space<vmem>>) target_semaphore(%run_scoped3A : memref<!tpu.dma_semaphore, #tpu.memory_space<semaphore_mem>>)
      %dma_wait3A_20 = tpu.memref_slice %arg2[%mul3A_2] : memref<16384xi32, #tpu.memory_space<hbm>> -> memref<512xi32, #tpu.memory_space<hbm>>
      %dma_wait3A_21 = tpu.memref_slice %arg2[%mul3A_2] : memref<16384xi32, #tpu.memory_space<hbm>> -> memref<512xi32, #tpu.memory_space<hbm>>
      tpu.wait_dma2 semaphore(%run_scoped3A : memref<!tpu.dma_semaphore, #tpu.memory_space<semaphore_mem>>) src(%dma_wait3A_21 : memref<512xi32, #tpu.memory_space<hbm>>) dst(%arg7 : memref<512xi32, #tpu.memory_space<vmem>>)
      tpu.yield
    }) : () -> ()
    "tpu.region"() ({
      %run_scoped3A = tpu.sem_alloc : memref<!tpu.dma_semaphore, #tpu.memory_space<semaphore_mem>>
      %dma_start3A_18 = tpu.memref_slice %arg3[%mul3A_2] : memref<16384xi32, #tpu.memory_space<hbm>> -> memref<512xi32, #tpu.memory_space<hbm>>
      %dma_start3A_19 = tpu.memref_slice %arg3[%mul3A_2] : memref<16384xi32, #tpu.memory_space<hbm>> -> memref<512xi32, #tpu.memory_space<hbm>>
      tpu.enqueue_dma source(%dma_start3A_19 : memref<512xi32, #tpu.memory_space<hbm>>) target(%arg8 : memref<512xi32, #tpu.memory_space<vmem>>) target_semaphore(%run_scoped3A : memref<!tpu.dma_semaphore, #tpu.memory_space<semaphore_mem>>)
      %dma_wait3A_20 = tpu.memref_slice %arg3[%mul3A_2] : memref<16384xi32, #tpu.memory_space<hbm>> -> memref<512xi32, #tpu.memory_space<hbm>>
      %dma_wait3A_21 = tpu.memref_slice %arg3[%mul3A_2] : memref<16384xi32, #tpu.memory_space<hbm>> -> memref<512xi32, #tpu.memory_space<hbm>>
      tpu.wait_dma2 semaphore(%run_scoped3A : memref<!tpu.dma_semaphore, #tpu.memory_space<semaphore_mem>>) src(%dma_wait3A_21 : memref<512xi32, #tpu.memory_space<hbm>>) dst(%arg8 : memref<512xi32, #tpu.memory_space<vmem>>)
      tpu.yield
    }) : () -> ()
    %dma_start3A = arith.constant 0 : i32
    %dma_start3A_3 = arith.constant 0 : i32
    %dma_start3A_4 = tpu.memref_slice %arg4[%dma_start3A, %dma_start3A_3] : memref<1000000x64xf32, #tpu.memory_space<hbm>> -> memref<1000000x64xf32, #tpu.memory_space<hbm>>
    tpu.enqueue_indirect_dma source(%dma_start3A_4 : memref<1000000x64xf32, #tpu.memory_space<hbm>>) target(%arg9 : memref<512x64xf32, #tpu.memory_space<vmem>>) offsets(%arg7 : memref<512xi32, #tpu.memory_space<vmem>>) semaphore(%arg12 : memref<!tpu.dma_semaphore, #tpu.memory_space<semaphore_mem>>)
    %dma_start3A_5 = arith.constant 0 : i32
    %dma_start3A_6 = arith.constant 0 : i32
    %dma_start3A_7 = tpu.memref_slice %arg5[%dma_start3A_5, %dma_start3A_6] : memref<1000000x64xf32, #tpu.memory_space<hbm>> -> memref<1000000x64xf32, #tpu.memory_space<hbm>>
    tpu.enqueue_indirect_dma source(%dma_start3A_7 : memref<1000000x64xf32, #tpu.memory_space<hbm>>) target(%arg10 : memref<512x64xf32, #tpu.memory_space<vmem>>) offsets(%arg8 : memref<512xi32, #tpu.memory_space<vmem>>) semaphore(%arg13 : memref<!tpu.dma_semaphore, #tpu.memory_space<semaphore_mem>>)
    %dma_wait3A = arith.constant 0 : i32
    %dma_wait3A_8 = arith.constant 0 : i32
    %dma_wait3A_9 = tpu.memref_slice %arg4[%dma_wait3A, %dma_wait3A_8] : memref<1000000x64xf32, #tpu.memory_space<hbm>> -> memref<1000000x64xf32, #tpu.memory_space<hbm>>
    tpu.wait_indirect_dma semaphore(%arg12 : memref<!tpu.dma_semaphore, #tpu.memory_space<semaphore_mem>>) src(%dma_wait3A_9 : memref<1000000x64xf32, #tpu.memory_space<hbm>>) dst(%arg9 : memref<512x64xf32, #tpu.memory_space<vmem>>)
    %dma_wait3A_10 = arith.constant 0 : i32
    %dma_wait3A_11 = arith.constant 0 : i32
    %dma_wait3A_12 = tpu.memref_slice %arg5[%dma_wait3A_10, %dma_wait3A_11] : memref<1000000x64xf32, #tpu.memory_space<hbm>> -> memref<1000000x64xf32, #tpu.memory_space<hbm>>
    tpu.wait_indirect_dma semaphore(%arg13 : memref<!tpu.dma_semaphore, #tpu.memory_space<semaphore_mem>>) src(%dma_wait3A_12 : memref<1000000x64xf32, #tpu.memory_space<hbm>>) dst(%arg10 : memref<512x64xf32, #tpu.memory_space<vmem>>)
    %iota3A = tpu.iota {dimensions = array<i32: 0>} : vector<16xi32>
    %scan3A = arith.constant 0 : i32
    %scan3A_13 = arith.constant 0 : i32
    %scan3A_14 = arith.constant 32 : i32
    %scan3A_15 = arith.addi %scan3A_13, %scan3A_14 : i32
    %scan3A_16 = arith.constant 1 : i32
    scf.for %scan3A_18 = %scan3A_13 to %scan3A_15 step %scan3A_16  : i32 {
      %broadcast_in_dim3A = arith.constant 0.000000e+00 : f32
      %broadcast_in_dim3A_19 = vector.broadcast %broadcast_in_dim3A : f32 to vector<16xf32>
      %mul3A_20 = arith.constant 16 : i32
      %mul3A_21 = arith.muli %scan3A_18, %mul3A_20 : i32
      %add3A_22 = arith.constant 0 : i32
      %add3A_23 = arith.addi %mul3A_21, %add3A_22 : i32
      %broadcast_in_dim3A_24 = arith.constant 0.000000e+00 : f32
      %broadcast_in_dim3A_25 = vector.broadcast %broadcast_in_dim3A_24 : f32 to vector<16xf32>
      %get3A = arith.index_cast %add3A_23 : i32 to index
      %get3A_26 = arith.constant 0 : index
      %get3A_27 = tpu.vector_load %arg9[%get3A, %get3A_26] {strides = array<i32>} : memref<512x64xf32, #tpu.memory_space<vmem>>, vector<16xf32>,
      %get3A_28 = arith.index_cast %add3A_23 : i32 to index
      %get3A_29 = arith.constant 0 : index
      %get3A_30 = tpu.vector_load %arg10[%get3A_28, %get3A_29] {strides = array<i32>} : memref<512x64xf32, #tpu.memory_space<vmem>>, vector<16xf32>,
      %mul3A_31 = arith.mulf %get3A_27, %get3A_30 : vector<16xf32>
      %add3A_32 = arith.addf %broadcast_in_dim3A_25, %mul3A_31 : vector<16xf32>
      %get3A_33 = arith.index_cast %add3A_23 : i32 to index
      %get3A_34 = arith.constant 16 : index
      %get3A_35 = tpu.vector_load %arg9[%get3A_33, %get3A_34] {strides = array<i32>} : memref<512x64xf32, #tpu.memory_space<vmem>>, vector<16xf32>,
      %get3A_36 = arith.index_cast %add3A_23 : i32 to index
      %get3A_37 = arith.constant 16 : index
      %get3A_38 = tpu.vector_load %arg10[%get3A_36, %get3A_37] {strides = array<i32>} : memref<512x64xf32, #tpu.memory_space<vmem>>, vector<16xf32>,
      %mul3A_39 = arith.mulf %get3A_35, %get3A_38 : vector<16xf32>
      %add3A_40 = arith.addf %add3A_32, %mul3A_39 : vector<16xf32>
      %get3A_41 = arith.index_cast %add3A_23 : i32 to index
      %get3A_42 = arith.constant 32 : index
      %get3A_43 = tpu.vector_load %arg9[%get3A_41, %get3A_42] {strides = array<i32>} : memref<512x64xf32, #tpu.memory_space<vmem>>, vector<16xf32>,
      %get3A_44 = arith.index_cast %add3A_23 : i32 to index
      %get3A_45 = arith.constant 32 : index
      %get3A_46 = tpu.vector_load %arg10[%get3A_44, %get3A_45] {strides = array<i32>} : memref<512x64xf32, #tpu.memory_space<vmem>>, vector<16xf32>,
      %mul3A_47 = arith.mulf %get3A_43, %get3A_46 : vector<16xf32>
      %add3A_48 = arith.addf %add3A_40, %mul3A_47 : vector<16xf32>
      %get3A_49 = arith.index_cast %add3A_23 : i32 to index
      %get3A_50 = arith.constant 48 : index
      %get3A_51 = tpu.vector_load %arg9[%get3A_49, %get3A_50] {strides = array<i32>} : memref<512x64xf32, #tpu.memory_space<vmem>>, vector<16xf32>,
      %get3A_52 = arith.index_cast %add3A_23 : i32 to index
      %get3A_53 = arith.constant 48 : index
      %get3A_54 = tpu.vector_load %arg10[%get3A_52, %get3A_53] {strides = array<i32>} : memref<512x64xf32, #tpu.memory_space<vmem>>, vector<16xf32>,
      %mul3A_55 = arith.mulf %get3A_51, %get3A_54 : vector<16xf32>
      %add3A_56 = arith.addf %add3A_48, %mul3A_55 : vector<16xf32>
      %reduce_sum3A = arith.constant true
      %reduce_sum3A_57 = vector.broadcast %reduce_sum3A : i1 to vector<16xi1>
      %reduce_sum3A_58 = tpu.scan <sum>, %add3A_56 masked %reduce_sum3A_57 : vector<16xf32>, vector<16xi1> -> vector<16xf32>
      %reduce_sum3A_59 = vector.extract %reduce_sum3A_58[15] : f32 from vector<16xf32>
      %eq3A = arith.constant 0 : i32
      %eq3A_60 = vector.broadcast %eq3A : i32 to vector<16xi32>
      %eq3A_61 = arith.cmpi eq, %iota3A, %eq3A_60 : vector<16xi32>
      %broadcast_in_dim3A_62 = vector.broadcast %reduce_sum3A_59 : f32 to vector<16xf32>
      %select_n3A = arith.select %eq3A_61, %broadcast_in_dim3A_62, %broadcast_in_dim3A_19 : vector<16xi1>, vector<16xf32>
      %mul3A_63 = arith.constant 16 : i32
      %mul3A_64 = arith.muli %scan3A_18, %mul3A_63 : i32
      %add3A_65 = arith.constant 1 : i32
      %add3A_66 = arith.addi %mul3A_64, %add3A_65 : i32
      %broadcast_in_dim3A_67 = arith.constant 0.000000e+00 : f32
      %broadcast_in_dim3A_68 = vector.broadcast %broadcast_in_dim3A_67 : f32 to vector<16xf32>
      %get3A_69 = arith.index_cast %add3A_66 : i32 to index
      %get3A_70 = arith.constant 0 : index
      %get3A_71 = tpu.vector_load %arg9[%get3A_69, %get3A_70] {strides = array<i32>} : memref<512x64xf32, #tpu.memory_space<vmem>>, vector<16xf32>,
      %get3A_72 = arith.index_cast %add3A_66 : i32 to index
      %get3A_73 = arith.constant 0 : index
      %get3A_74 = tpu.vector_load %arg10[%get3A_72, %get3A_73] {strides = array<i32>} : memref<512x64xf32, #tpu.memory_space<vmem>>, vector<16xf32>,
      %mul3A_75 = arith.mulf %get3A_71, %get3A_74 : vector<16xf32>
      %add3A_76 = arith.addf %broadcast_in_dim3A_68, %mul3A_75 : vector<16xf32>
      %get3A_77 = arith.index_cast %add3A_66 : i32 to index
      %get3A_78 = arith.constant 16 : index
      %get3A_79 = tpu.vector_load %arg9[%get3A_77, %get3A_78] {strides = array<i32>} : memref<512x64xf32, #tpu.memory_space<vmem>>, vector<16xf32>,
      %get3A_80 = arith.index_cast %add3A_66 : i32 to index
      %get3A_81 = arith.constant 16 : index
      %get3A_82 = tpu.vector_load %arg10[%get3A_80, %get3A_81] {strides = array<i32>} : memref<512x64xf32, #tpu.memory_space<vmem>>, vector<16xf32>,
      %mul3A_83 = arith.mulf %get3A_79, %get3A_82 : vector<16xf32>
      %add3A_84 = arith.addf %add3A_76, %mul3A_83 : vector<16xf32>
      %get3A_85 = arith.index_cast %add3A_66 : i32 to index
      %get3A_86 = arith.constant 32 : index
      %get3A_87 = tpu.vector_load %arg9[%get3A_85, %get3A_86] {strides = array<i32>} : memref<512x64xf32, #tpu.memory_space<vmem>>, vector<16xf32>,
      %get3A_88 = arith.index_cast %add3A_66 : i32 to index
      %get3A_89 = arith.constant 32 : index
      %get3A_90 = tpu.vector_load %arg10[%get3A_88, %get3A_89] {strides = array<i32>} : memref<512x64xf32, #tpu.memory_space<vmem>>, vector<16xf32>,
      %mul3A_91 = arith.mulf %get3A_87, %get3A_90 : vector<16xf32>
      %add3A_92 = arith.addf %add3A_84, %mul3A_91 : vector<16xf32>
      %get3A_93 = arith.index_cast %add3A_66 : i32 to index
      %get3A_94 = arith.constant 48 : index
      %get3A_95 = tpu.vector_load %arg9[%get3A_93, %get3A_94] {strides = array<i32>} : memref<512x64xf32, #tpu.memory_space<vmem>>, vector<16xf32>,
      %get3A_96 = arith.index_cast %add3A_66 : i32 to index
      %get3A_97 = arith.constant 48 : index
      %get3A_98 = tpu.vector_load %arg10[%get3A_96, %get3A_97] {strides = array<i32>} : memref<512x64xf32, #tpu.memory_space<vmem>>, vector<16xf32>,
      %mul3A_99 = arith.mulf %get3A_95, %get3A_98 : vector<16xf32>
      %add3A_100 = arith.addf %add3A_92, %mul3A_99 : vector<16xf32>
      %reduce_sum3A_101 = arith.constant true
      %reduce_sum3A_102 = vector.broadcast %reduce_sum3A_101 : i1 to vector<16xi1>
      %reduce_sum3A_103 = tpu.scan <sum>, %add3A_100 masked %reduce_sum3A_102 : vector<16xf32>, vector<16xi1> -> vector<16xf32>
      %reduce_sum3A_104 = vector.extract %reduce_sum3A_103[15] : f32 from vector<16xf32>
      %eq3A_105 = arith.constant 1 : i32
      %eq3A_106 = vector.broadcast %eq3A_105 : i32 to vector<16xi32>
      %eq3A_107 = arith.cmpi eq, %iota3A, %eq3A_106 : vector<16xi32>
      %broadcast_in_dim3A_108 = vector.broadcast %reduce_sum3A_104 : f32 to vector<16xf32>
      %select_n3A_109 = arith.select %eq3A_107, %broadcast_in_dim3A_108, %select_n3A : vector<16xi1>, vector<16xf32>
      %mul3A_110 = arith.constant 16 : i32
      %mul3A_111 = arith.muli %scan3A_18, %mul3A_110 : i32
      %add3A_112 = arith.constant 2 : i32
      %add3A_113 = arith.addi %mul3A_111, %add3A_112 : i32
      %broadcast_in_dim3A_114 = arith.constant 0.000000e+00 : f32
      %broadcast_in_dim3A_115 = vector.broadcast %broadcast_in_dim3A_114 : f32 to vector<16xf32>
      %get3A_116 = arith.index_cast %add3A_113 : i32 to index
      %get3A_117 = arith.constant 0 : index
      %get3A_118 = tpu.vector_load %arg9[%get3A_116, %get3A_117] {strides = array<i32>} : memref<512x64xf32, #tpu.memory_space<vmem>>, vector<16xf32>,
      %get3A_119 = arith.index_cast %add3A_113 : i32 to index
      %get3A_120 = arith.constant 0 : index
      %get3A_121 = tpu.vector_load %arg10[%get3A_119, %get3A_120] {strides = array<i32>} : memref<512x64xf32, #tpu.memory_space<vmem>>, vector<16xf32>,
      %mul3A_122 = arith.mulf %get3A_118, %get3A_121 : vector<16xf32>
      %add3A_123 = arith.addf %broadcast_in_dim3A_115, %mul3A_122 : vector<16xf32>
      %get3A_124 = arith.index_cast %add3A_113 : i32 to index
      %get3A_125 = arith.constant 16 : index
      %get3A_126 = tpu.vector_load %arg9[%get3A_124, %get3A_125] {strides = array<i32>} : memref<512x64xf32, #tpu.memory_space<vmem>>, vector<16xf32>,
      %get3A_127 = arith.index_cast %add3A_113 : i32 to index
      %get3A_128 = arith.constant 16 : index
      %get3A_129 = tpu.vector_load %arg10[%get3A_127, %get3A_128] {strides = array<i32>} : memref<512x64xf32, #tpu.memory_space<vmem>>, vector<16xf32>,
      %mul3A_130 = arith.mulf %get3A_126, %get3A_129 : vector<16xf32>
      %add3A_131 = arith.addf %add3A_123, %mul3A_130 : vector<16xf32>
      %get3A_132 = arith.index_cast %add3A_113 : i32 to index
      %get3A_133 = arith.constant 32 : index
      %get3A_134 = tpu.vector_load %arg9[%get3A_132, %get3A_133] {strides = array<i32>} : memref<512x64xf32, #tpu.memory_space<vmem>>, vector<16xf32>,
      %get3A_135 = arith.index_cast %add3A_113 : i32 to index
      %get3A_136 = arith.constant 32 : index
      %get3A_137 = tpu.vector_load %arg10[%get3A_135, %get3A_136] {strides = array<i32>} : memref<512x64xf32, #tpu.memory_space<vmem>>, vector<16xf32>,
      %mul3A_138 = arith.mulf %get3A_134, %get3A_137 : vector<16xf32>
      %add3A_139 = arith.addf %add3A_131, %mul3A_138 : vector<16xf32>
      %get3A_140 = arith.index_cast %add3A_113 : i32 to index
      %get3A_141 = arith.constant 48 : index
      %get3A_142 = tpu.vector_load %arg9[%get3A_140, %get3A_141] {strides = array<i32>} : memref<512x64xf32, #tpu.memory_space<vmem>>, vector<16xf32>,
      %get3A_143 = arith.index_cast %add3A_113 : i32 to index
      %get3A_144 = arith.constant 48 : index
      %get3A_145 = tpu.vector_load %arg10[%get3A_143, %get3A_144] {strides = array<i32>} : memref<512x64xf32, #tpu.memory_space<vmem>>, vector<16xf32>,
      %mul3A_146 = arith.mulf %get3A_142, %get3A_145 : vector<16xf32>
      %add3A_147 = arith.addf %add3A_139, %mul3A_146 : vector<16xf32>
      %reduce_sum3A_148 = arith.constant true
      %reduce_sum3A_149 = vector.broadcast %reduce_sum3A_148 : i1 to vector<16xi1>
      %reduce_sum3A_150 = tpu.scan <sum>, %add3A_147 masked %reduce_sum3A_149 : vector<16xf32>, vector<16xi1> -> vector<16xf32>
      %reduce_sum3A_151 = vector.extract %reduce_sum3A_150[15] : f32 from vector<16xf32>
      %eq3A_152 = arith.constant 2 : i32
      %eq3A_153 = vector.broadcast %eq3A_152 : i32 to vector<16xi32>
      %eq3A_154 = arith.cmpi eq, %iota3A, %eq3A_153 : vector<16xi32>
      %broadcast_in_dim3A_155 = vector.broadcast %reduce_sum3A_151 : f32 to vector<16xf32>
      %select_n3A_156 = arith.select %eq3A_154, %broadcast_in_dim3A_155, %select_n3A_109 : vector<16xi1>, vector<16xf32>
      %mul3A_157 = arith.constant 16 : i32
      %mul3A_158 = arith.muli %scan3A_18, %mul3A_157 : i32
      %add3A_159 = arith.constant 3 : i32
      %add3A_160 = arith.addi %mul3A_158, %add3A_159 : i32
      %broadcast_in_dim3A_161 = arith.constant 0.000000e+00 : f32
      %broadcast_in_dim3A_162 = vector.broadcast %broadcast_in_dim3A_161 : f32 to vector<16xf32>
      %get3A_163 = arith.index_cast %add3A_160 : i32 to index
      %get3A_164 = arith.constant 0 : index
      %get3A_165 = tpu.vector_load %arg9[%get3A_163, %get3A_164] {strides = array<i32>} : memref<512x64xf32, #tpu.memory_space<vmem>>, vector<16xf32>,
      %get3A_166 = arith.index_cast %add3A_160 : i32 to index
      %get3A_167 = arith.constant 0 : index
      %get3A_168 = tpu.vector_load %arg10[%get3A_166, %get3A_167] {strides = array<i32>} : memref<512x64xf32, #tpu.memory_space<vmem>>, vector<16xf32>,
      %mul3A_169 = arith.mulf %get3A_165, %get3A_168 : vector<16xf32>
      %add3A_170 = arith.addf %broadcast_in_dim3A_162, %mul3A_169 : vector<16xf32>
      %get3A_171 = arith.index_cast %add3A_160 : i32 to index
      %get3A_172 = arith.constant 16 : index
      %get3A_173 = tpu.vector_load %arg9[%get3A_171, %get3A_172] {strides = array<i32>} : memref<512x64xf32, #tpu.memory_space<vmem>>, vector<16xf32>,
      %get3A_174 = arith.index_cast %add3A_160 : i32 to index
      %get3A_175 = arith.constant 16 : index
      %get3A_176 = tpu.vector_load %arg10[%get3A_174, %get3A_175] {strides = array<i32>} : memref<512x64xf32, #tpu.memory_space<vmem>>, vector<16xf32>,
      %mul3A_177 = arith.mulf %get3A_173, %get3A_176 : vector<16xf32>
      %add3A_178 = arith.addf %add3A_170, %mul3A_177 : vector<16xf32>
      %get3A_179 = arith.index_cast %add3A_160 : i32 to index
      %get3A_180 = arith.constant 32 : index
      %get3A_181 = tpu.vector_load %arg9[%get3A_179, %get3A_180] {strides = array<i32>} : memref<512x64xf32, #tpu.memory_space<vmem>>, vector<16xf32>,
      %get3A_182 = arith.index_cast %add3A_160 : i32 to index
      %get3A_183 = arith.constant 32 : index
      %get3A_184 = tpu.vector_load %arg10[%get3A_182, %get3A_183] {strides = array<i32>} : memref<512x64xf32, #tpu.memory_space<vmem>>, vector<16xf32>,
      %mul3A_185 = arith.mulf %get3A_181, %get3A_184 : vector<16xf32>
      %add3A_186 = arith.addf %add3A_178, %mul3A_185 : vector<16xf32>
      %get3A_187 = arith.index_cast %add3A_160 : i32 to index
      %get3A_188 = arith.constant 48 : index
      %get3A_189 = tpu.vector_load %arg9[%get3A_187, %get3A_188] {strides = array<i32>} : memref<512x64xf32, #tpu.memory_space<vmem>>, vector<16xf32>,
      %get3A_190 = arith.index_cast %add3A_160 : i32 to index
      %get3A_191 = arith.constant 48 : index
      %get3A_192 = tpu.vector_load %arg10[%get3A_190, %get3A_191] {strides = array<i32>} : memref<512x64xf32, #tpu.memory_space<vmem>>, vector<16xf32>,
      %mul3A_193 = arith.mulf %get3A_189, %get3A_192 : vector<16xf32>
      %add3A_194 = arith.addf %add3A_186, %mul3A_193 : vector<16xf32>
      %reduce_sum3A_195 = arith.constant true
      %reduce_sum3A_196 = vector.broadcast %reduce_sum3A_195 : i1 to vector<16xi1>
      %reduce_sum3A_197 = tpu.scan <sum>, %add3A_194 masked %reduce_sum3A_196 : vector<16xf32>, vector<16xi1> -> vector<16xf32>
      %reduce_sum3A_198 = vector.extract %reduce_sum3A_197[15] : f32 from vector<16xf32>
      %eq3A_199 = arith.constant 3 : i32
      %eq3A_200 = vector.broadcast %eq3A_199 : i32 to vector<16xi32>
      %eq3A_201 = arith.cmpi eq, %iota3A, %eq3A_200 : vector<16xi32>
      %broadcast_in_dim3A_202 = vector.broadcast %reduce_sum3A_198 : f32 to vector<16xf32>
      %select_n3A_203 = arith.select %eq3A_201, %broadcast_in_dim3A_202, %select_n3A_156 : vector<16xi1>, vector<16xf32>
      %mul3A_204 = arith.constant 16 : i32
      %mul3A_205 = arith.muli %scan3A_18, %mul3A_204 : i32
      %add3A_206 = arith.constant 4 : i32
      %add3A_207 = arith.addi %mul3A_205, %add3A_206 : i32
      %broadcast_in_dim3A_208 = arith.constant 0.000000e+00 : f32
      %broadcast_in_dim3A_209 = vector.broadcast %broadcast_in_dim3A_208 : f32 to vector<16xf32>
      %get3A_210 = arith.index_cast %add3A_207 : i32 to index
      %get3A_211 = arith.constant 0 : index
      %get3A_212 = tpu.vector_load %arg9[%get3A_210, %get3A_211] {strides = array<i32>} : memref<512x64xf32, #tpu.memory_space<vmem>>, vector<16xf32>,
      %get3A_213 = arith.index_cast %add3A_207 : i32 to index
      %get3A_214 = arith.constant 0 : index
      %get3A_215 = tpu.vector_load %arg10[%get3A_213, %get3A_214] {strides = array<i32>} : memref<512x64xf32, #tpu.memory_space<vmem>>, vector<16xf32>,
      %mul3A_216 = arith.mulf %get3A_212, %get3A_215 : vector<16xf32>
      %add3A_217 = arith.addf %broadcast_in_dim3A_209, %mul3A_216 : vector<16xf32>
      %get3A_218 = arith.index_cast %add3A_207 : i32 to index
      %get3A_219 = arith.constant 16 : index
      %get3A_220 = tpu.vector_load %arg9[%get3A_218, %get3A_219] {strides = array<i32>} : memref<512x64xf32, #tpu.memory_space<vmem>>, vector<16xf32>,
      %get3A_221 = arith.index_cast %add3A_207 : i32 to index
      %get3A_222 = arith.constant 16 : index
      %get3A_223 = tpu.vector_load %arg10[%get3A_221, %get3A_222] {strides = array<i32>} : memref<512x64xf32, #tpu.memory_space<vmem>>, vector<16xf32>,
      %mul3A_224 = arith.mulf %get3A_220, %get3A_223 : vector<16xf32>
      %add3A_225 = arith.addf %add3A_217, %mul3A_224 : vector<16xf32>
      %get3A_226 = arith.index_cast %add3A_207 : i32 to index
      %get3A_227 = arith.constant 32 : index
      %get3A_228 = tpu.vector_load %arg9[%get3A_226, %get3A_227] {strides = array<i32>} : memref<512x64xf32, #tpu.memory_space<vmem>>, vector<16xf32>,
      %get3A_229 = arith.index_cast %add3A_207 : i32 to index
      %get3A_230 = arith.constant 32 : index
      %get3A_231 = tpu.vector_load %arg10[%get3A_229, %get3A_230] {strides = array<i32>} : memref<512x64xf32, #tpu.memory_space<vmem>>, vector<16xf32>,
      %mul3A_232 = arith.mulf %get3A_228, %get3A_231 : vector<16xf32>
      %add3A_233 = arith.addf %add3A_225, %mul3A_232 : vector<16xf32>
      %get3A_234 = arith.index_cast %add3A_207 : i32 to index
      %get3A_235 = arith.constant 48 : index
      %get3A_236 = tpu.vector_load %arg9[%get3A_234, %get3A_235] {strides = array<i32>} : memref<512x64xf32, #tpu.memory_space<vmem>>, vector<16xf32>,
      %get3A_237 = arith.index_cast %add3A_207 : i32 to index
      %get3A_238 = arith.constant 48 : index
      %get3A_239 = tpu.vector_load %arg10[%get3A_237, %get3A_238] {strides = array<i32>} : memref<512x64xf32, #tpu.memory_space<vmem>>, vector<16xf32>,
      %mul3A_240 = arith.mulf %get3A_236, %get3A_239 : vector<16xf32>
      %add3A_241 = arith.addf %add3A_233, %mul3A_240 : vector<16xf32>
      %reduce_sum3A_242 = arith.constant true
      %reduce_sum3A_243 = vector.broadcast %reduce_sum3A_242 : i1 to vector<16xi1>
      %reduce_sum3A_244 = tpu.scan <sum>, %add3A_241 masked %reduce_sum3A_243 : vector<16xf32>, vector<16xi1> -> vector<16xf32>
      %reduce_sum3A_245 = vector.extract %reduce_sum3A_244[15] : f32 from vector<16xf32>
      %eq3A_246 = arith.constant 4 : i32
      %eq3A_247 = vector.broadcast %eq3A_246 : i32 to vector<16xi32>
      %eq3A_248 = arith.cmpi eq, %iota3A, %eq3A_247 : vector<16xi32>
      %broadcast_in_dim3A_249 = vector.broadcast %reduce_sum3A_245 : f32 to vector<16xf32>
      %select_n3A_250 = arith.select %eq3A_248, %broadcast_in_dim3A_249, %select_n3A_203 : vector<16xi1>, vector<16xf32>
      %mul3A_251 = arith.constant 16 : i32
      %mul3A_252 = arith.muli %scan3A_18, %mul3A_251 : i32
      %add3A_253 = arith.constant 5 : i32
      %add3A_254 = arith.addi %mul3A_252, %add3A_253 : i32
      %broadcast_in_dim3A_255 = arith.constant 0.000000e+00 : f32
      %broadcast_in_dim3A_256 = vector.broadcast %broadcast_in_dim3A_255 : f32 to vector<16xf32>
      %get3A_257 = arith.index_cast %add3A_254 : i32 to index
      %get3A_258 = arith.constant 0 : index
      %get3A_259 = tpu.vector_load %arg9[%get3A_257, %get3A_258] {strides = array<i32>} : memref<512x64xf32, #tpu.memory_space<vmem>>, vector<16xf32>,
      %get3A_260 = arith.index_cast %add3A_254 : i32 to index
      %get3A_261 = arith.constant 0 : index
      %get3A_262 = tpu.vector_load %arg10[%get3A_260, %get3A_261] {strides = array<i32>} : memref<512x64xf32, #tpu.memory_space<vmem>>, vector<16xf32>,
      %mul3A_263 = arith.mulf %get3A_259, %get3A_262 : vector<16xf32>
      %add3A_264 = arith.addf %broadcast_in_dim3A_256, %mul3A_263 : vector<16xf32>
      %get3A_265 = arith.index_cast %add3A_254 : i32 to index
      %get3A_266 = arith.constant 16 : index
      %get3A_267 = tpu.vector_load %arg9[%get3A_265, %get3A_266] {strides = array<i32>} : memref<512x64xf32, #tpu.memory_space<vmem>>, vector<16xf32>,
      %get3A_268 = arith.index_cast %add3A_254 : i32 to index
      %get3A_269 = arith.constant 16 : index
      %get3A_270 = tpu.vector_load %arg10[%get3A_268, %get3A_269] {strides = array<i32>} : memref<512x64xf32, #tpu.memory_space<vmem>>, vector<16xf32>,
      %mul3A_271 = arith.mulf %get3A_267, %get3A_270 : vector<16xf32>
      %add3A_272 = arith.addf %add3A_264, %mul3A_271 : vector<16xf32>
      %get3A_273 = arith.index_cast %add3A_254 : i32 to index
      %get3A_274 = arith.constant 32 : index
      %get3A_275 = tpu.vector_load %arg9[%get3A_273, %get3A_274] {strides = array<i32>} : memref<512x64xf32, #tpu.memory_space<vmem>>, vector<16xf32>,
      %get3A_276 = arith.index_cast %add3A_254 : i32 to index
      %get3A_277 = arith.constant 32 : index
      %get3A_278 = tpu.vector_load %arg10[%get3A_276, %get3A_277] {strides = array<i32>} : memref<512x64xf32, #tpu.memory_space<vmem>>, vector<16xf32>,
      %mul3A_279 = arith.mulf %get3A_275, %get3A_278 : vector<16xf32>
      %add3A_280 = arith.addf %add3A_272, %mul3A_279 : vector<16xf32>
      %get3A_281 = arith.index_cast %add3A_254 : i32 to index
      %get3A_282 = arith.constant 48 : index
      %get3A_283 = tpu.vector_load %arg9[%get3A_281, %get3A_282] {strides = array<i32>} : memref<512x64xf32, #tpu.memory_space<vmem>>, vector<16xf32>,
      %get3A_284 = arith.index_cast %add3A_254 : i32 to index
      %get3A_285 = arith.constant 48 : index
      %get3A_286 = tpu.vector_load %arg10[%get3A_284, %get3A_285] {strides = array<i32>} : memref<512x64xf32, #tpu.memory_space<vmem>>, vector<16xf32>,
      %mul3A_287 = arith.mulf %get3A_283, %get3A_286 : vector<16xf32>
      %add3A_288 = arith.addf %add3A_280, %mul3A_287 : vector<16xf32>
      %reduce_sum3A_289 = arith.constant true
      %reduce_sum3A_290 = vector.broadcast %reduce_sum3A_289 : i1 to vector<16xi1>
      %reduce_sum3A_291 = tpu.scan <sum>, %add3A_288 masked %reduce_sum3A_290 : vector<16xf32>, vector<16xi1> -> vector<16xf32>
      %reduce_sum3A_292 = vector.extract %reduce_sum3A_291[15] : f32 from vector<16xf32>
      %eq3A_293 = arith.constant 5 : i32
      %eq3A_294 = vector.broadcast %eq3A_293 : i32 to vector<16xi32>
      %eq3A_295 = arith.cmpi eq, %iota3A, %eq3A_294 : vector<16xi32>
      %broadcast_in_dim3A_296 = vector.broadcast %reduce_sum3A_292 : f32 to vector<16xf32>
      %select_n3A_297 = arith.select %eq3A_295, %broadcast_in_dim3A_296, %select_n3A_250 : vector<16xi1>, vector<16xf32>
      %mul3A_298 = arith.constant 16 : i32
      %mul3A_299 = arith.muli %scan3A_18, %mul3A_298 : i32
      %add3A_300 = arith.constant 6 : i32
      %add3A_301 = arith.addi %mul3A_299, %add3A_300 : i32
      %broadcast_in_dim3A_302 = arith.constant 0.000000e+00 : f32
      %broadcast_in_dim3A_303 = vector.broadcast %broadcast_in_dim3A_302 : f32 to vector<16xf32>
      %get3A_304 = arith.index_cast %add3A_301 : i32 to index
      %get3A_305 = arith.constant 0 : index
      %get3A_306 = tpu.vector_load %arg9[%get3A_304, %get3A_305] {strides = array<i32>} : memref<512x64xf32, #tpu.memory_space<vmem>>, vector<16xf32>,
      %get3A_307 = arith.index_cast %add3A_301 : i32 to index
      %get3A_308 = arith.constant 0 : index
      %get3A_309 = tpu.vector_load %arg10[%get3A_307, %get3A_308] {strides = array<i32>} : memref<512x64xf32, #tpu.memory_space<vmem>>, vector<16xf32>,
      %mul3A_310 = arith.mulf %get3A_306, %get3A_309 : vector<16xf32>
      %add3A_311 = arith.addf %broadcast_in_dim3A_303, %mul3A_310 : vector<16xf32>
      %get3A_312 = arith.index_cast %add3A_301 : i32 to index
      %get3A_313 = arith.constant 16 : index
      %get3A_314 = tpu.vector_load %arg9[%get3A_312, %get3A_313] {strides = array<i32>} : memref<512x64xf32, #tpu.memory_space<vmem>>, vector<16xf32>,
      %get3A_315 = arith.index_cast %add3A_301 : i32 to index
      %get3A_316 = arith.constant 16 : index
      %get3A_317 = tpu.vector_load %arg10[%get3A_315, %get3A_316] {strides = array<i32>} : memref<512x64xf32, #tpu.memory_space<vmem>>, vector<16xf32>,
      %mul3A_318 = arith.mulf %get3A_314, %get3A_317 : vector<16xf32>
      %add3A_319 = arith.addf %add3A_311, %mul3A_318 : vector<16xf32>
      %get3A_320 = arith.index_cast %add3A_301 : i32 to index
      %get3A_321 = arith.constant 32 : index
      %get3A_322 = tpu.vector_load %arg9[%get3A_320, %get3A_321] {strides = array<i32>} : memref<512x64xf32, #tpu.memory_space<vmem>>, vector<16xf32>,
      %get3A_323 = arith.index_cast %add3A_301 : i32 to index
      %get3A_324 = arith.constant 32 : index
      %get3A_325 = tpu.vector_load %arg10[%get3A_323, %get3A_324] {strides = array<i32>} : memref<512x64xf32, #tpu.memory_space<vmem>>, vector<16xf32>,
      %mul3A_326 = arith.mulf %get3A_322, %get3A_325 : vector<16xf32>
      %add3A_327 = arith.addf %add3A_319, %mul3A_326 : vector<16xf32>
      %get3A_328 = arith.index_cast %add3A_301 : i32 to index
      %get3A_329 = arith.constant 48 : index
      %get3A_330 = tpu.vector_load %arg9[%get3A_328, %get3A_329] {strides = array<i32>} : memref<512x64xf32, #tpu.memory_space<vmem>>, vector<16xf32>,
      %get3A_331 = arith.index_cast %add3A_301 : i32 to index
      %get3A_332 = arith.constant 48 : index
      %get3A_333 = tpu.vector_load %arg10[%get3A_331, %get3A_332] {strides = array<i32>} : memref<512x64xf32, #tpu.memory_space<vmem>>, vector<16xf32>,
      %mul3A_334 = arith.mulf %get3A_330, %get3A_333 : vector<16xf32>
      %add3A_335 = arith.addf %add3A_327, %mul3A_334 : vector<16xf32>
      %reduce_sum3A_336 = arith.constant true
      %reduce_sum3A_337 = vector.broadcast %reduce_sum3A_336 : i1 to vector<16xi1>
      %reduce_sum3A_338 = tpu.scan <sum>, %add3A_335 masked %reduce_sum3A_337 : vector<16xf32>, vector<16xi1> -> vector<16xf32>
      %reduce_sum3A_339 = vector.extract %reduce_sum3A_338[15] : f32 from vector<16xf32>
      %eq3A_340 = arith.constant 6 : i32
      %eq3A_341 = vector.broadcast %eq3A_340 : i32 to vector<16xi32>
      %eq3A_342 = arith.cmpi eq, %iota3A, %eq3A_341 : vector<16xi32>
      %broadcast_in_dim3A_343 = vector.broadcast %reduce_sum3A_339 : f32 to vector<16xf32>
      %select_n3A_344 = arith.select %eq3A_342, %broadcast_in_dim3A_343, %select_n3A_297 : vector<16xi1>, vector<16xf32>
      %mul3A_345 = arith.constant 16 : i32
      %mul3A_346 = arith.muli %scan3A_18, %mul3A_345 : i32
      %add3A_347 = arith.constant 7 : i32
      %add3A_348 = arith.addi %mul3A_346, %add3A_347 : i32
      %broadcast_in_dim3A_349 = arith.constant 0.000000e+00 : f32
      %broadcast_in_dim3A_350 = vector.broadcast %broadcast_in_dim3A_349 : f32 to vector<16xf32>
      %get3A_351 = arith.index_cast %add3A_348 : i32 to index
      %get3A_352 = arith.constant 0 : index
      %get3A_353 = tpu.vector_load %arg9[%get3A_351, %get3A_352] {strides = array<i32>} : memref<512x64xf32, #tpu.memory_space<vmem>>, vector<16xf32>,
      %get3A_354 = arith.index_cast %add3A_348 : i32 to index
      %get3A_355 = arith.constant 0 : index
      %get3A_356 = tpu.vector_load %arg10[%get3A_354, %get3A_355] {strides = array<i32>} : memref<512x64xf32, #tpu.memory_space<vmem>>, vector<16xf32>,
      %mul3A_357 = arith.mulf %get3A_353, %get3A_356 : vector<16xf32>
      %add3A_358 = arith.addf %broadcast_in_dim3A_350, %mul3A_357 : vector<16xf32>
      %get3A_359 = arith.index_cast %add3A_348 : i32 to index
      %get3A_360 = arith.constant 16 : index
      %get3A_361 = tpu.vector_load %arg9[%get3A_359, %get3A_360] {strides = array<i32>} : memref<512x64xf32, #tpu.memory_space<vmem>>, vector<16xf32>,
      %get3A_362 = arith.index_cast %add3A_348 : i32 to index
      %get3A_363 = arith.constant 16 : index
      %get3A_364 = tpu.vector_load %arg10[%get3A_362, %get3A_363] {strides = array<i32>} : memref<512x64xf32, #tpu.memory_space<vmem>>, vector<16xf32>,
      %mul3A_365 = arith.mulf %get3A_361, %get3A_364 : vector<16xf32>
      %add3A_366 = arith.addf %add3A_358, %mul3A_365 : vector<16xf32>
      %get3A_367 = arith.index_cast %add3A_348 : i32 to index
      %get3A_368 = arith.constant 32 : index
      %get3A_369 = tpu.vector_load %arg9[%get3A_367, %get3A_368] {strides = array<i32>} : memref<512x64xf32, #tpu.memory_space<vmem>>, vector<16xf32>,
      %get3A_370 = arith.index_cast %add3A_348 : i32 to index
      %get3A_371 = arith.constant 32 : index
      %get3A_372 = tpu.vector_load %arg10[%get3A_370, %get3A_371] {strides = array<i32>} : memref<512x64xf32, #tpu.memory_space<vmem>>, vector<16xf32>,
      %mul3A_373 = arith.mulf %get3A_369, %get3A_372 : vector<16xf32>
      %add3A_374 = arith.addf %add3A_366, %mul3A_373 : vector<16xf32>
      %get3A_375 = arith.index_cast %add3A_348 : i32 to index
      %get3A_376 = arith.constant 48 : index
      %get3A_377 = tpu.vector_load %arg9[%get3A_375, %get3A_376] {strides = array<i32>} : memref<512x64xf32, #tpu.memory_space<vmem>>, vector<16xf32>,
      %get3A_378 = arith.index_cast %add3A_348 : i32 to index
      %get3A_379 = arith.constant 48 : index
      %get3A_380 = tpu.vector_load %arg10[%get3A_378, %get3A_379] {strides = array<i32>} : memref<512x64xf32, #tpu.memory_space<vmem>>, vector<16xf32>,
      %mul3A_381 = arith.mulf %get3A_377, %get3A_380 : vector<16xf32>
      %add3A_382 = arith.addf %add3A_374, %mul3A_381 : vector<16xf32>
      %reduce_sum3A_383 = arith.constant true
      %reduce_sum3A_384 = vector.broadcast %reduce_sum3A_383 : i1 to vector<16xi1>
      %reduce_sum3A_385 = tpu.scan <sum>, %add3A_382 masked %reduce_sum3A_384 : vector<16xf32>, vector<16xi1> -> vector<16xf32>
      %reduce_sum3A_386 = vector.extract %reduce_sum3A_385[15] : f32 from vector<16xf32>
      %eq3A_387 = arith.constant 7 : i32
      %eq3A_388 = vector.broadcast %eq3A_387 : i32 to vector<16xi32>
      %eq3A_389 = arith.cmpi eq, %iota3A, %eq3A_388 : vector<16xi32>
      %broadcast_in_dim3A_390 = vector.broadcast %reduce_sum3A_386 : f32 to vector<16xf32>
      %select_n3A_391 = arith.select %eq3A_389, %broadcast_in_dim3A_390, %select_n3A_344 : vector<16xi1>, vector<16xf32>
      %mul3A_392 = arith.constant 16 : i32
      %mul3A_393 = arith.muli %scan3A_18, %mul3A_392 : i32
      %add3A_394 = arith.constant 8 : i32
      %add3A_395 = arith.addi %mul3A_393, %add3A_394 : i32
      %broadcast_in_dim3A_396 = arith.constant 0.000000e+00 : f32
      %broadcast_in_dim3A_397 = vector.broadcast %broadcast_in_dim3A_396 : f32 to vector<16xf32>
      %get3A_398 = arith.index_cast %add3A_395 : i32 to index
      %get3A_399 = arith.constant 0 : index
      %get3A_400 = tpu.vector_load %arg9[%get3A_398, %get3A_399] {strides = array<i32>} : memref<512x64xf32, #tpu.memory_space<vmem>>, vector<16xf32>,
      %get3A_401 = arith.index_cast %add3A_395 : i32 to index
      %get3A_402 = arith.constant 0 : index
      %get3A_403 = tpu.vector_load %arg10[%get3A_401, %get3A_402] {strides = array<i32>} : memref<512x64xf32, #tpu.memory_space<vmem>>, vector<16xf32>,
      %mul3A_404 = arith.mulf %get3A_400, %get3A_403 : vector<16xf32>
      %add3A_405 = arith.addf %broadcast_in_dim3A_397, %mul3A_404 : vector<16xf32>
      %get3A_406 = arith.index_cast %add3A_395 : i32 to index
      %get3A_407 = arith.constant 16 : index
      %get3A_408 = tpu.vector_load %arg9[%get3A_406, %get3A_407] {strides = array<i32>} : memref<512x64xf32, #tpu.memory_space<vmem>>, vector<16xf32>,
      %get3A_409 = arith.index_cast %add3A_395 : i32 to index
      %get3A_410 = arith.constant 16 : index
      %get3A_411 = tpu.vector_load %arg10[%get3A_409, %get3A_410] {strides = array<i32>} : memref<512x64xf32, #tpu.memory_space<vmem>>, vector<16xf32>,
      %mul3A_412 = arith.mulf %get3A_408, %get3A_411 : vector<16xf32>
      %add3A_413 = arith.addf %add3A_405, %mul3A_412 : vector<16xf32>
      %get3A_414 = arith.index_cast %add3A_395 : i32 to index
      %get3A_415 = arith.constant 32 : index
      %get3A_416 = tpu.vector_load %arg9[%get3A_414, %get3A_415] {strides = array<i32>} : memref<512x64xf32, #tpu.memory_space<vmem>>, vector<16xf32>,
      %get3A_417 = arith.index_cast %add3A_395 : i32 to index
      %get3A_418 = arith.constant 32 : index
      %get3A_419 = tpu.vector_load %arg10[%get3A_417, %get3A_418] {strides = array<i32>} : memref<512x64xf32, #tpu.memory_space<vmem>>, vector<16xf32>,
      %mul3A_420 = arith.mulf %get3A_416, %get3A_419 : vector<16xf32>
      %add3A_421 = arith.addf %add3A_413, %mul3A_420 : vector<16xf32>
      %get3A_422 = arith.index_cast %add3A_395 : i32 to index
      %get3A_423 = arith.constant 48 : index
      %get3A_424 = tpu.vector_load %arg9[%get3A_422, %get3A_423] {strides = array<i32>} : memref<512x64xf32, #tpu.memory_space<vmem>>, vector<16xf32>,
      %get3A_425 = arith.index_cast %add3A_395 : i32 to index
      %get3A_426 = arith.constant 48 : index
      %get3A_427 = tpu.vector_load %arg10[%get3A_425, %get3A_426] {strides = array<i32>} : memref<512x64xf32, #tpu.memory_space<vmem>>, vector<16xf32>,
      %mul3A_428 = arith.mulf %get3A_424, %get3A_427 : vector<16xf32>
      %add3A_429 = arith.addf %add3A_421, %mul3A_428 : vector<16xf32>
      %reduce_sum3A_430 = arith.constant true
      %reduce_sum3A_431 = vector.broadcast %reduce_sum3A_430 : i1 to vector<16xi1>
      %reduce_sum3A_432 = tpu.scan <sum>, %add3A_429 masked %reduce_sum3A_431 : vector<16xf32>, vector<16xi1> -> vector<16xf32>
      %reduce_sum3A_433 = vector.extract %reduce_sum3A_432[15] : f32 from vector<16xf32>
      %eq3A_434 = arith.constant 8 : i32
      %eq3A_435 = vector.broadcast %eq3A_434 : i32 to vector<16xi32>
      %eq3A_436 = arith.cmpi eq, %iota3A, %eq3A_435 : vector<16xi32>
      %broadcast_in_dim3A_437 = vector.broadcast %reduce_sum3A_433 : f32 to vector<16xf32>
      %select_n3A_438 = arith.select %eq3A_436, %broadcast_in_dim3A_437, %select_n3A_391 : vector<16xi1>, vector<16xf32>
      %mul3A_439 = arith.constant 16 : i32
      %mul3A_440 = arith.muli %scan3A_18, %mul3A_439 : i32
      %add3A_441 = arith.constant 9 : i32
      %add3A_442 = arith.addi %mul3A_440, %add3A_441 : i32
      %broadcast_in_dim3A_443 = arith.constant 0.000000e+00 : f32
      %broadcast_in_dim3A_444 = vector.broadcast %broadcast_in_dim3A_443 : f32 to vector<16xf32>
      %get3A_445 = arith.index_cast %add3A_442 : i32 to index
      %get3A_446 = arith.constant 0 : index
      %get3A_447 = tpu.vector_load %arg9[%get3A_445, %get3A_446] {strides = array<i32>} : memref<512x64xf32, #tpu.memory_space<vmem>>, vector<16xf32>,
      %get3A_448 = arith.index_cast %add3A_442 : i32 to index
      %get3A_449 = arith.constant 0 : index
      %get3A_450 = tpu.vector_load %arg10[%get3A_448, %get3A_449] {strides = array<i32>} : memref<512x64xf32, #tpu.memory_space<vmem>>, vector<16xf32>,
      %mul3A_451 = arith.mulf %get3A_447, %get3A_450 : vector<16xf32>
      %add3A_452 = arith.addf %broadcast_in_dim3A_444, %mul3A_451 : vector<16xf32>
      %get3A_453 = arith.index_cast %add3A_442 : i32 to index
      %get3A_454 = arith.constant 16 : index
      %get3A_455 = tpu.vector_load %arg9[%get3A_453, %get3A_454] {strides = array<i32>} : memref<512x64xf32, #tpu.memory_space<vmem>>, vector<16xf32>,
      %get3A_456 = arith.index_cast %add3A_442 : i32 to index
      %get3A_457 = arith.constant 16 : index
      %get3A_458 = tpu.vector_load %arg10[%get3A_456, %get3A_457] {strides = array<i32>} : memref<512x64xf32, #tpu.memory_space<vmem>>, vector<16xf32>,
      %mul3A_459 = arith.mulf %get3A_455, %get3A_458 : vector<16xf32>
      %add3A_460 = arith.addf %add3A_452, %mul3A_459 : vector<16xf32>
      %get3A_461 = arith.index_cast %add3A_442 : i32 to index
      %get3A_462 = arith.constant 32 : index
      %get3A_463 = tpu.vector_load %arg9[%get3A_461, %get3A_462] {strides = array<i32>} : memref<512x64xf32, #tpu.memory_space<vmem>>, vector<16xf32>,
      %get3A_464 = arith.index_cast %add3A_442 : i32 to index
      %get3A_465 = arith.constant 32 : index
      %get3A_466 = tpu.vector_load %arg10[%get3A_464, %get3A_465] {strides = array<i32>} : memref<512x64xf32, #tpu.memory_space<vmem>>, vector<16xf32>,
      %mul3A_467 = arith.mulf %get3A_463, %get3A_466 : vector<16xf32>
      %add3A_468 = arith.addf %add3A_460, %mul3A_467 : vector<16xf32>
      %get3A_469 = arith.index_cast %add3A_442 : i32 to index
      %get3A_470 = arith.constant 48 : index
      %get3A_471 = tpu.vector_load %arg9[%get3A_469, %get3A_470] {strides = array<i32>} : memref<512x64xf32, #tpu.memory_space<vmem>>, vector<16xf32>,
      %get3A_472 = arith.index_cast %add3A_442 : i32 to index
      %get3A_473 = arith.constant 48 : index
      %get3A_474 = tpu.vector_load %arg10[%get3A_472, %get3A_473] {strides = array<i32>} : memref<512x64xf32, #tpu.memory_space<vmem>>, vector<16xf32>,
      %mul3A_475 = arith.mulf %get3A_471, %get3A_474 : vector<16xf32>
      %add3A_476 = arith.addf %add3A_468, %mul3A_475 : vector<16xf32>
      %reduce_sum3A_477 = arith.constant true
      %reduce_sum3A_478 = vector.broadcast %reduce_sum3A_477 : i1 to vector<16xi1>
      %reduce_sum3A_479 = tpu.scan <sum>, %add3A_476 masked %reduce_sum3A_478 : vector<16xf32>, vector<16xi1> -> vector<16xf32>
      %reduce_sum3A_480 = vector.extract %reduce_sum3A_479[15] : f32 from vector<16xf32>
      %eq3A_481 = arith.constant 9 : i32
      %eq3A_482 = vector.broadcast %eq3A_481 : i32 to vector<16xi32>
      %eq3A_483 = arith.cmpi eq, %iota3A, %eq3A_482 : vector<16xi32>
      %broadcast_in_dim3A_484 = vector.broadcast %reduce_sum3A_480 : f32 to vector<16xf32>
      %select_n3A_485 = arith.select %eq3A_483, %broadcast_in_dim3A_484, %select_n3A_438 : vector<16xi1>, vector<16xf32>
      %mul3A_486 = arith.constant 16 : i32
      %mul3A_487 = arith.muli %scan3A_18, %mul3A_486 : i32
      %add3A_488 = arith.constant 10 : i32
      %add3A_489 = arith.addi %mul3A_487, %add3A_488 : i32
      %broadcast_in_dim3A_490 = arith.constant 0.000000e+00 : f32
      %broadcast_in_dim3A_491 = vector.broadcast %broadcast_in_dim3A_490 : f32 to vector<16xf32>
      %get3A_492 = arith.index_cast %add3A_489 : i32 to index
      %get3A_493 = arith.constant 0 : index
      %get3A_494 = tpu.vector_load %arg9[%get3A_492, %get3A_493] {strides = array<i32>} : memref<512x64xf32, #tpu.memory_space<vmem>>, vector<16xf32>,
      %get3A_495 = arith.index_cast %add3A_489 : i32 to index
      %get3A_496 = arith.constant 0 : index
      %get3A_497 = tpu.vector_load %arg10[%get3A_495, %get3A_496] {strides = array<i32>} : memref<512x64xf32, #tpu.memory_space<vmem>>, vector<16xf32>,
      %mul3A_498 = arith.mulf %get3A_494, %get3A_497 : vector<16xf32>
      %add3A_499 = arith.addf %broadcast_in_dim3A_491, %mul3A_498 : vector<16xf32>
      %get3A_500 = arith.index_cast %add3A_489 : i32 to index
      %get3A_501 = arith.constant 16 : index
      %get3A_502 = tpu.vector_load %arg9[%get3A_500, %get3A_501] {strides = array<i32>} : memref<512x64xf32, #tpu.memory_space<vmem>>, vector<16xf32>,
      %get3A_503 = arith.index_cast %add3A_489 : i32 to index
      %get3A_504 = arith.constant 16 : index
      %get3A_505 = tpu.vector_load %arg10[%get3A_503, %get3A_504] {strides = array<i32>} : memref<512x64xf32, #tpu.memory_space<vmem>>, vector<16xf32>,
      %mul3A_506 = arith.mulf %get3A_502, %get3A_505 : vector<16xf32>
      %add3A_507 = arith.addf %add3A_499, %mul3A_506 : vector<16xf32>
      %get3A_508 = arith.index_cast %add3A_489 : i32 to index
      %get3A_509 = arith.constant 32 : index
      %get3A_510 = tpu.vector_load %arg9[%get3A_508, %get3A_509] {strides = array<i32>} : memref<512x64xf32, #tpu.memory_space<vmem>>, vector<16xf32>,
      %get3A_511 = arith.index_cast %add3A_489 : i32 to index
      %get3A_512 = arith.constant 32 : index
      %get3A_513 = tpu.vector_load %arg10[%get3A_511, %get3A_512] {strides = array<i32>} : memref<512x64xf32, #tpu.memory_space<vmem>>, vector<16xf32>,
      %mul3A_514 = arith.mulf %get3A_510, %get3A_513 : vector<16xf32>
      %add3A_515 = arith.addf %add3A_507, %mul3A_514 : vector<16xf32>
      %get3A_516 = arith.index_cast %add3A_489 : i32 to index
      %get3A_517 = arith.constant 48 : index
      %get3A_518 = tpu.vector_load %arg9[%get3A_516, %get3A_517] {strides = array<i32>} : memref<512x64xf32, #tpu.memory_space<vmem>>, vector<16xf32>,
      %get3A_519 = arith.index_cast %add3A_489 : i32 to index
      %get3A_520 = arith.constant 48 : index
      %get3A_521 = tpu.vector_load %arg10[%get3A_519, %get3A_520] {strides = array<i32>} : memref<512x64xf32, #tpu.memory_space<vmem>>, vector<16xf32>,
      %mul3A_522 = arith.mulf %get3A_518, %get3A_521 : vector<16xf32>
      %add3A_523 = arith.addf %add3A_515, %mul3A_522 : vector<16xf32>
      %reduce_sum3A_524 = arith.constant true
      %reduce_sum3A_525 = vector.broadcast %reduce_sum3A_524 : i1 to vector<16xi1>
      %reduce_sum3A_526 = tpu.scan <sum>, %add3A_523 masked %reduce_sum3A_525 : vector<16xf32>, vector<16xi1> -> vector<16xf32>
      %reduce_sum3A_527 = vector.extract %reduce_sum3A_526[15] : f32 from vector<16xf32>
      %eq3A_528 = arith.constant 10 : i32
      %eq3A_529 = vector.broadcast %eq3A_528 : i32 to vector<16xi32>
      %eq3A_530 = arith.cmpi eq, %iota3A, %eq3A_529 : vector<16xi32>
      %broadcast_in_dim3A_531 = vector.broadcast %reduce_sum3A_527 : f32 to vector<16xf32>
      %select_n3A_532 = arith.select %eq3A_530, %broadcast_in_dim3A_531, %select_n3A_485 : vector<16xi1>, vector<16xf32>
      %mul3A_533 = arith.constant 16 : i32
      %mul3A_534 = arith.muli %scan3A_18, %mul3A_533 : i32
      %add3A_535 = arith.constant 11 : i32
      %add3A_536 = arith.addi %mul3A_534, %add3A_535 : i32
      %broadcast_in_dim3A_537 = arith.constant 0.000000e+00 : f32
      %broadcast_in_dim3A_538 = vector.broadcast %broadcast_in_dim3A_537 : f32 to vector<16xf32>
      %get3A_539 = arith.index_cast %add3A_536 : i32 to index
      %get3A_540 = arith.constant 0 : index
      %get3A_541 = tpu.vector_load %arg9[%get3A_539, %get3A_540] {strides = array<i32>} : memref<512x64xf32, #tpu.memory_space<vmem>>, vector<16xf32>,
      %get3A_542 = arith.index_cast %add3A_536 : i32 to index
      %get3A_543 = arith.constant 0 : index
      %get3A_544 = tpu.vector_load %arg10[%get3A_542, %get3A_543] {strides = array<i32>} : memref<512x64xf32, #tpu.memory_space<vmem>>, vector<16xf32>,
      %mul3A_545 = arith.mulf %get3A_541, %get3A_544 : vector<16xf32>
      %add3A_546 = arith.addf %broadcast_in_dim3A_538, %mul3A_545 : vector<16xf32>
      %get3A_547 = arith.index_cast %add3A_536 : i32 to index
      %get3A_548 = arith.constant 16 : index
      %get3A_549 = tpu.vector_load %arg9[%get3A_547, %get3A_548] {strides = array<i32>} : memref<512x64xf32, #tpu.memory_space<vmem>>, vector<16xf32>,
      %get3A_550 = arith.index_cast %add3A_536 : i32 to index
      %get3A_551 = arith.constant 16 : index
      %get3A_552 = tpu.vector_load %arg10[%get3A_550, %get3A_551] {strides = array<i32>} : memref<512x64xf32, #tpu.memory_space<vmem>>, vector<16xf32>,
      %mul3A_553 = arith.mulf %get3A_549, %get3A_552 : vector<16xf32>
      %add3A_554 = arith.addf %add3A_546, %mul3A_553 : vector<16xf32>
      %get3A_555 = arith.index_cast %add3A_536 : i32 to index
      %get3A_556 = arith.constant 32 : index
      %get3A_557 = tpu.vector_load %arg9[%get3A_555, %get3A_556] {strides = array<i32>} : memref<512x64xf32, #tpu.memory_space<vmem>>, vector<16xf32>,
      %get3A_558 = arith.index_cast %add3A_536 : i32 to index
      %get3A_559 = arith.constant 32 : index
      %get3A_560 = tpu.vector_load %arg10[%get3A_558, %get3A_559] {strides = array<i32>} : memref<512x64xf32, #tpu.memory_space<vmem>>, vector<16xf32>,
      %mul3A_561 = arith.mulf %get3A_557, %get3A_560 : vector<16xf32>
      %add3A_562 = arith.addf %add3A_554, %mul3A_561 : vector<16xf32>
      %get3A_563 = arith.index_cast %add3A_536 : i32 to index
      %get3A_564 = arith.constant 48 : index
      %get3A_565 = tpu.vector_load %arg9[%get3A_563, %get3A_564] {strides = array<i32>} : memref<512x64xf32, #tpu.memory_space<vmem>>, vector<16xf32>,
      %get3A_566 = arith.index_cast %add3A_536 : i32 to index
      %get3A_567 = arith.constant 48 : index
      %get3A_568 = tpu.vector_load %arg10[%get3A_566, %get3A_567] {strides = array<i32>} : memref<512x64xf32, #tpu.memory_space<vmem>>, vector<16xf32>,
      %mul3A_569 = arith.mulf %get3A_565, %get3A_568 : vector<16xf32>
      %add3A_570 = arith.addf %add3A_562, %mul3A_569 : vector<16xf32>
      %reduce_sum3A_571 = arith.constant true
      %reduce_sum3A_572 = vector.broadcast %reduce_sum3A_571 : i1 to vector<16xi1>
      %reduce_sum3A_573 = tpu.scan <sum>, %add3A_570 masked %reduce_sum3A_572 : vector<16xf32>, vector<16xi1> -> vector<16xf32>
      %reduce_sum3A_574 = vector.extract %reduce_sum3A_573[15] : f32 from vector<16xf32>
      %eq3A_575 = arith.constant 11 : i32
      %eq3A_576 = vector.broadcast %eq3A_575 : i32 to vector<16xi32>
      %eq3A_577 = arith.cmpi eq, %iota3A, %eq3A_576 : vector<16xi32>
      %broadcast_in_dim3A_578 = vector.broadcast %reduce_sum3A_574 : f32 to vector<16xf32>
      %select_n3A_579 = arith.select %eq3A_577, %broadcast_in_dim3A_578, %select_n3A_532 : vector<16xi1>, vector<16xf32>
      %mul3A_580 = arith.constant 16 : i32
      %mul3A_581 = arith.muli %scan3A_18, %mul3A_580 : i32
      %add3A_582 = arith.constant 12 : i32
      %add3A_583 = arith.addi %mul3A_581, %add3A_582 : i32
      %broadcast_in_dim3A_584 = arith.constant 0.000000e+00 : f32
      %broadcast_in_dim3A_585 = vector.broadcast %broadcast_in_dim3A_584 : f32 to vector<16xf32>
      %get3A_586 = arith.index_cast %add3A_583 : i32 to index
      %get3A_587 = arith.constant 0 : index
      %get3A_588 = tpu.vector_load %arg9[%get3A_586, %get3A_587] {strides = array<i32>} : memref<512x64xf32, #tpu.memory_space<vmem>>, vector<16xf32>,
      %get3A_589 = arith.index_cast %add3A_583 : i32 to index
      %get3A_590 = arith.constant 0 : index
      %get3A_591 = tpu.vector_load %arg10[%get3A_589, %get3A_590] {strides = array<i32>} : memref<512x64xf32, #tpu.memory_space<vmem>>, vector<16xf32>,
      %mul3A_592 = arith.mulf %get3A_588, %get3A_591 : vector<16xf32>
      %add3A_593 = arith.addf %broadcast_in_dim3A_585, %mul3A_592 : vector<16xf32>
      %get3A_594 = arith.index_cast %add3A_583 : i32 to index
      %get3A_595 = arith.constant 16 : index
      %get3A_596 = tpu.vector_load %arg9[%get3A_594, %get3A_595] {strides = array<i32>} : memref<512x64xf32, #tpu.memory_space<vmem>>, vector<16xf32>,
      %get3A_597 = arith.index_cast %add3A_583 : i32 to index
      %get3A_598 = arith.constant 16 : index
      %get3A_599 = tpu.vector_load %arg10[%get3A_597, %get3A_598] {strides = array<i32>} : memref<512x64xf32, #tpu.memory_space<vmem>>, vector<16xf32>,
      %mul3A_600 = arith.mulf %get3A_596, %get3A_599 : vector<16xf32>
      %add3A_601 = arith.addf %add3A_593, %mul3A_600 : vector<16xf32>
      %get3A_602 = arith.index_cast %add3A_583 : i32 to index
      %get3A_603 = arith.constant 32 : index
      %get3A_604 = tpu.vector_load %arg9[%get3A_602, %get3A_603] {strides = array<i32>} : memref<512x64xf32, #tpu.memory_space<vmem>>, vector<16xf32>,
      %get3A_605 = arith.index_cast %add3A_583 : i32 to index
      %get3A_606 = arith.constant 32 : index
      %get3A_607 = tpu.vector_load %arg10[%get3A_605, %get3A_606] {strides = array<i32>} : memref<512x64xf32, #tpu.memory_space<vmem>>, vector<16xf32>,
      %mul3A_608 = arith.mulf %get3A_604, %get3A_607 : vector<16xf32>
      %add3A_609 = arith.addf %add3A_601, %mul3A_608 : vector<16xf32>
      %get3A_610 = arith.index_cast %add3A_583 : i32 to index
      %get3A_611 = arith.constant 48 : index
      %get3A_612 = tpu.vector_load %arg9[%get3A_610, %get3A_611] {strides = array<i32>} : memref<512x64xf32, #tpu.memory_space<vmem>>, vector<16xf32>,
      %get3A_613 = arith.index_cast %add3A_583 : i32 to index
      %get3A_614 = arith.constant 48 : index
      %get3A_615 = tpu.vector_load %arg10[%get3A_613, %get3A_614] {strides = array<i32>} : memref<512x64xf32, #tpu.memory_space<vmem>>, vector<16xf32>,
      %mul3A_616 = arith.mulf %get3A_612, %get3A_615 : vector<16xf32>
      %add3A_617 = arith.addf %add3A_609, %mul3A_616 : vector<16xf32>
      %reduce_sum3A_618 = arith.constant true
      %reduce_sum3A_619 = vector.broadcast %reduce_sum3A_618 : i1 to vector<16xi1>
      %reduce_sum3A_620 = tpu.scan <sum>, %add3A_617 masked %reduce_sum3A_619 : vector<16xf32>, vector<16xi1> -> vector<16xf32>
      %reduce_sum3A_621 = vector.extract %reduce_sum3A_620[15] : f32 from vector<16xf32>
      %eq3A_622 = arith.constant 12 : i32
      %eq3A_623 = vector.broadcast %eq3A_622 : i32 to vector<16xi32>
      %eq3A_624 = arith.cmpi eq, %iota3A, %eq3A_623 : vector<16xi32>
      %broadcast_in_dim3A_625 = vector.broadcast %reduce_sum3A_621 : f32 to vector<16xf32>
      %select_n3A_626 = arith.select %eq3A_624, %broadcast_in_dim3A_625, %select_n3A_579 : vector<16xi1>, vector<16xf32>
      %mul3A_627 = arith.constant 16 : i32
      %mul3A_628 = arith.muli %scan3A_18, %mul3A_627 : i32
      %add3A_629 = arith.constant 13 : i32
      %add3A_630 = arith.addi %mul3A_628, %add3A_629 : i32
      %broadcast_in_dim3A_631 = arith.constant 0.000000e+00 : f32
      %broadcast_in_dim3A_632 = vector.broadcast %broadcast_in_dim3A_631 : f32 to vector<16xf32>
      %get3A_633 = arith.index_cast %add3A_630 : i32 to index
      %get3A_634 = arith.constant 0 : index
      %get3A_635 = tpu.vector_load %arg9[%get3A_633, %get3A_634] {strides = array<i32>} : memref<512x64xf32, #tpu.memory_space<vmem>>, vector<16xf32>,
      %get3A_636 = arith.index_cast %add3A_630 : i32 to index
      %get3A_637 = arith.constant 0 : index
      %get3A_638 = tpu.vector_load %arg10[%get3A_636, %get3A_637] {strides = array<i32>} : memref<512x64xf32, #tpu.memory_space<vmem>>, vector<16xf32>,
      %mul3A_639 = arith.mulf %get3A_635, %get3A_638 : vector<16xf32>
      %add3A_640 = arith.addf %broadcast_in_dim3A_632, %mul3A_639 : vector<16xf32>
      %get3A_641 = arith.index_cast %add3A_630 : i32 to index
      %get3A_642 = arith.constant 16 : index
      %get3A_643 = tpu.vector_load %arg9[%get3A_641, %get3A_642] {strides = array<i32>} : memref<512x64xf32, #tpu.memory_space<vmem>>, vector<16xf32>,
      %get3A_644 = arith.index_cast %add3A_630 : i32 to index
      %get3A_645 = arith.constant 16 : index
      %get3A_646 = tpu.vector_load %arg10[%get3A_644, %get3A_645] {strides = array<i32>} : memref<512x64xf32, #tpu.memory_space<vmem>>, vector<16xf32>,
      %mul3A_647 = arith.mulf %get3A_643, %get3A_646 : vector<16xf32>
      %add3A_648 = arith.addf %add3A_640, %mul3A_647 : vector<16xf32>
      %get3A_649 = arith.index_cast %add3A_630 : i32 to index
      %get3A_650 = arith.constant 32 : index
      %get3A_651 = tpu.vector_load %arg9[%get3A_649, %get3A_650] {strides = array<i32>} : memref<512x64xf32, #tpu.memory_space<vmem>>, vector<16xf32>,
      %get3A_652 = arith.index_cast %add3A_630 : i32 to index
      %get3A_653 = arith.constant 32 : index
      %get3A_654 = tpu.vector_load %arg10[%get3A_652, %get3A_653] {strides = array<i32>} : memref<512x64xf32, #tpu.memory_space<vmem>>, vector<16xf32>,
      %mul3A_655 = arith.mulf %get3A_651, %get3A_654 : vector<16xf32>
      %add3A_656 = arith.addf %add3A_648, %mul3A_655 : vector<16xf32>
      %get3A_657 = arith.index_cast %add3A_630 : i32 to index
      %get3A_658 = arith.constant 48 : index
      %get3A_659 = tpu.vector_load %arg9[%get3A_657, %get3A_658] {strides = array<i32>} : memref<512x64xf32, #tpu.memory_space<vmem>>, vector<16xf32>,
      %get3A_660 = arith.index_cast %add3A_630 : i32 to index
      %get3A_661 = arith.constant 48 : index
      %get3A_662 = tpu.vector_load %arg10[%get3A_660, %get3A_661] {strides = array<i32>} : memref<512x64xf32, #tpu.memory_space<vmem>>, vector<16xf32>,
      %mul3A_663 = arith.mulf %get3A_659, %get3A_662 : vector<16xf32>
      %add3A_664 = arith.addf %add3A_656, %mul3A_663 : vector<16xf32>
      %reduce_sum3A_665 = arith.constant true
      %reduce_sum3A_666 = vector.broadcast %reduce_sum3A_665 : i1 to vector<16xi1>
      %reduce_sum3A_667 = tpu.scan <sum>, %add3A_664 masked %reduce_sum3A_666 : vector<16xf32>, vector<16xi1> -> vector<16xf32>
      %reduce_sum3A_668 = vector.extract %reduce_sum3A_667[15] : f32 from vector<16xf32>
      %eq3A_669 = arith.constant 13 : i32
      %eq3A_670 = vector.broadcast %eq3A_669 : i32 to vector<16xi32>
      %eq3A_671 = arith.cmpi eq, %iota3A, %eq3A_670 : vector<16xi32>
      %broadcast_in_dim3A_672 = vector.broadcast %reduce_sum3A_668 : f32 to vector<16xf32>
      %select_n3A_673 = arith.select %eq3A_671, %broadcast_in_dim3A_672, %select_n3A_626 : vector<16xi1>, vector<16xf32>
      %mul3A_674 = arith.constant 16 : i32
      %mul3A_675 = arith.muli %scan3A_18, %mul3A_674 : i32
      %add3A_676 = arith.constant 14 : i32
      %add3A_677 = arith.addi %mul3A_675, %add3A_676 : i32
      %broadcast_in_dim3A_678 = arith.constant 0.000000e+00 : f32
      %broadcast_in_dim3A_679 = vector.broadcast %broadcast_in_dim3A_678 : f32 to vector<16xf32>
      %get3A_680 = arith.index_cast %add3A_677 : i32 to index
      %get3A_681 = arith.constant 0 : index
      %get3A_682 = tpu.vector_load %arg9[%get3A_680, %get3A_681] {strides = array<i32>} : memref<512x64xf32, #tpu.memory_space<vmem>>, vector<16xf32>,
      %get3A_683 = arith.index_cast %add3A_677 : i32 to index
      %get3A_684 = arith.constant 0 : index
      %get3A_685 = tpu.vector_load %arg10[%get3A_683, %get3A_684] {strides = array<i32>} : memref<512x64xf32, #tpu.memory_space<vmem>>, vector<16xf32>,
      %mul3A_686 = arith.mulf %get3A_682, %get3A_685 : vector<16xf32>
      %add3A_687 = arith.addf %broadcast_in_dim3A_679, %mul3A_686 : vector<16xf32>
      %get3A_688 = arith.index_cast %add3A_677 : i32 to index
      %get3A_689 = arith.constant 16 : index
      %get3A_690 = tpu.vector_load %arg9[%get3A_688, %get3A_689] {strides = array<i32>} : memref<512x64xf32, #tpu.memory_space<vmem>>, vector<16xf32>,
      %get3A_691 = arith.index_cast %add3A_677 : i32 to index
      %get3A_692 = arith.constant 16 : index
      %get3A_693 = tpu.vector_load %arg10[%get3A_691, %get3A_692] {strides = array<i32>} : memref<512x64xf32, #tpu.memory_space<vmem>>, vector<16xf32>,
      %mul3A_694 = arith.mulf %get3A_690, %get3A_693 : vector<16xf32>
      %add3A_695 = arith.addf %add3A_687, %mul3A_694 : vector<16xf32>
      %get3A_696 = arith.index_cast %add3A_677 : i32 to index
      %get3A_697 = arith.constant 32 : index
      %get3A_698 = tpu.vector_load %arg9[%get3A_696, %get3A_697] {strides = array<i32>} : memref<512x64xf32, #tpu.memory_space<vmem>>, vector<16xf32>,
      %get3A_699 = arith.index_cast %add3A_677 : i32 to index
      %get3A_700 = arith.constant 32 : index
      %get3A_701 = tpu.vector_load %arg10[%get3A_699, %get3A_700] {strides = array<i32>} : memref<512x64xf32, #tpu.memory_space<vmem>>, vector<16xf32>,
      %mul3A_702 = arith.mulf %get3A_698, %get3A_701 : vector<16xf32>
      %add3A_703 = arith.addf %add3A_695, %mul3A_702 : vector<16xf32>
      %get3A_704 = arith.index_cast %add3A_677 : i32 to index
      %get3A_705 = arith.constant 48 : index
      %get3A_706 = tpu.vector_load %arg9[%get3A_704, %get3A_705] {strides = array<i32>} : memref<512x64xf32, #tpu.memory_space<vmem>>, vector<16xf32>,
      %get3A_707 = arith.index_cast %add3A_677 : i32 to index
      %get3A_708 = arith.constant 48 : index
      %get3A_709 = tpu.vector_load %arg10[%get3A_707, %get3A_708] {strides = array<i32>} : memref<512x64xf32, #tpu.memory_space<vmem>>, vector<16xf32>,
      %mul3A_710 = arith.mulf %get3A_706, %get3A_709 : vector<16xf32>
      %add3A_711 = arith.addf %add3A_703, %mul3A_710 : vector<16xf32>
      %reduce_sum3A_712 = arith.constant true
      %reduce_sum3A_713 = vector.broadcast %reduce_sum3A_712 : i1 to vector<16xi1>
      %reduce_sum3A_714 = tpu.scan <sum>, %add3A_711 masked %reduce_sum3A_713 : vector<16xf32>, vector<16xi1> -> vector<16xf32>
      %reduce_sum3A_715 = vector.extract %reduce_sum3A_714[15] : f32 from vector<16xf32>
      %eq3A_716 = arith.constant 14 : i32
      %eq3A_717 = vector.broadcast %eq3A_716 : i32 to vector<16xi32>
      %eq3A_718 = arith.cmpi eq, %iota3A, %eq3A_717 : vector<16xi32>
      %broadcast_in_dim3A_719 = vector.broadcast %reduce_sum3A_715 : f32 to vector<16xf32>
      %select_n3A_720 = arith.select %eq3A_718, %broadcast_in_dim3A_719, %select_n3A_673 : vector<16xi1>, vector<16xf32>
      %mul3A_721 = arith.constant 16 : i32
      %mul3A_722 = arith.muli %scan3A_18, %mul3A_721 : i32
      %add3A_723 = arith.constant 15 : i32
      %add3A_724 = arith.addi %mul3A_722, %add3A_723 : i32
      %broadcast_in_dim3A_725 = arith.constant 0.000000e+00 : f32
      %broadcast_in_dim3A_726 = vector.broadcast %broadcast_in_dim3A_725 : f32 to vector<16xf32>
      %get3A_727 = arith.index_cast %add3A_724 : i32 to index
      %get3A_728 = arith.constant 0 : index
      %get3A_729 = tpu.vector_load %arg9[%get3A_727, %get3A_728] {strides = array<i32>} : memref<512x64xf32, #tpu.memory_space<vmem>>, vector<16xf32>,
      %get3A_730 = arith.index_cast %add3A_724 : i32 to index
      %get3A_731 = arith.constant 0 : index
      %get3A_732 = tpu.vector_load %arg10[%get3A_730, %get3A_731] {strides = array<i32>} : memref<512x64xf32, #tpu.memory_space<vmem>>, vector<16xf32>,
      %mul3A_733 = arith.mulf %get3A_729, %get3A_732 : vector<16xf32>
      %add3A_734 = arith.addf %broadcast_in_dim3A_726, %mul3A_733 : vector<16xf32>
      %get3A_735 = arith.index_cast %add3A_724 : i32 to index
      %get3A_736 = arith.constant 16 : index
      %get3A_737 = tpu.vector_load %arg9[%get3A_735, %get3A_736] {strides = array<i32>} : memref<512x64xf32, #tpu.memory_space<vmem>>, vector<16xf32>,
      %get3A_738 = arith.index_cast %add3A_724 : i32 to index
      %get3A_739 = arith.constant 16 : index
      %get3A_740 = tpu.vector_load %arg10[%get3A_738, %get3A_739] {strides = array<i32>} : memref<512x64xf32, #tpu.memory_space<vmem>>, vector<16xf32>,
      %mul3A_741 = arith.mulf %get3A_737, %get3A_740 : vector<16xf32>
      %add3A_742 = arith.addf %add3A_734, %mul3A_741 : vector<16xf32>
      %get3A_743 = arith.index_cast %add3A_724 : i32 to index
      %get3A_744 = arith.constant 32 : index
      %get3A_745 = tpu.vector_load %arg9[%get3A_743, %get3A_744] {strides = array<i32>} : memref<512x64xf32, #tpu.memory_space<vmem>>, vector<16xf32>,
      %get3A_746 = arith.index_cast %add3A_724 : i32 to index
      %get3A_747 = arith.constant 32 : index
      %get3A_748 = tpu.vector_load %arg10[%get3A_746, %get3A_747] {strides = array<i32>} : memref<512x64xf32, #tpu.memory_space<vmem>>, vector<16xf32>,
      %mul3A_749 = arith.mulf %get3A_745, %get3A_748 : vector<16xf32>
      %add3A_750 = arith.addf %add3A_742, %mul3A_749 : vector<16xf32>
      %get3A_751 = arith.index_cast %add3A_724 : i32 to index
      %get3A_752 = arith.constant 48 : index
      %get3A_753 = tpu.vector_load %arg9[%get3A_751, %get3A_752] {strides = array<i32>} : memref<512x64xf32, #tpu.memory_space<vmem>>, vector<16xf32>,
      %get3A_754 = arith.index_cast %add3A_724 : i32 to index
      %get3A_755 = arith.constant 48 : index
      %get3A_756 = tpu.vector_load %arg10[%get3A_754, %get3A_755] {strides = array<i32>} : memref<512x64xf32, #tpu.memory_space<vmem>>, vector<16xf32>,
      %mul3A_757 = arith.mulf %get3A_753, %get3A_756 : vector<16xf32>
      %add3A_758 = arith.addf %add3A_750, %mul3A_757 : vector<16xf32>
      %reduce_sum3A_759 = arith.constant true
      %reduce_sum3A_760 = vector.broadcast %reduce_sum3A_759 : i1 to vector<16xi1>
      %reduce_sum3A_761 = tpu.scan <sum>, %add3A_758 masked %reduce_sum3A_760 : vector<16xf32>, vector<16xi1> -> vector<16xf32>
      %reduce_sum3A_762 = vector.extract %reduce_sum3A_761[15] : f32 from vector<16xf32>
      %eq3A_763 = arith.constant 15 : i32
      %eq3A_764 = vector.broadcast %eq3A_763 : i32 to vector<16xi32>
      %eq3A_765 = arith.cmpi eq, %iota3A, %eq3A_764 : vector<16xi32>
      %broadcast_in_dim3A_766 = vector.broadcast %reduce_sum3A_762 : f32 to vector<16xf32>
      %select_n3A_767 = arith.select %eq3A_765, %broadcast_in_dim3A_766, %select_n3A_720 : vector<16xi1>, vector<16xf32>
      %mul3A_768 = arith.constant 16 : i32
      %mul3A_769 = arith.muli %scan3A_18, %mul3A_768 : i32
      %swap3A = arith.index_cast %mul3A_769 : i32 to index
      %swap3A_770 = tpu.vector_load %arg11[%swap3A] {strides = array<i32>} : memref<512xf32, #tpu.memory_space<vmem>>, vector<16xf32>,
      tpu.vector_store %arg11[%swap3A], %select_n3A_767 {strides = array<i32>} : memref<512xf32, #tpu.memory_space<vmem>>, vector<16xf32>,
    }
    %scan3A_17 = arith.constant 32 : i32
    "tpu.region"() ({
      %run_scoped3A = tpu.sem_alloc : memref<!tpu.dma_semaphore, #tpu.memory_space<semaphore_mem>>
      %dma_start3A_18 = tpu.memref_slice %arg6[%mul3A_2] : memref<16384xf32, #tpu.memory_space<hbm>> -> memref<512xf32, #tpu.memory_space<hbm>>
      %dma_start3A_19 = tpu.memref_slice %arg6[%mul3A_2] : memref<16384xf32, #tpu.memory_space<hbm>> -> memref<512xf32, #tpu.memory_space<hbm>>
      tpu.enqueue_dma source(%arg11 : memref<512xf32, #tpu.memory_space<vmem>>) target(%dma_start3A_19 : memref<512xf32, #tpu.memory_space<hbm>>) target_semaphore(%run_scoped3A : memref<!tpu.dma_semaphore, #tpu.memory_space<semaphore_mem>>)
      %dma_wait3A_20 = tpu.memref_slice %arg6[%mul3A_2] : memref<16384xf32, #tpu.memory_space<hbm>> -> memref<512xf32, #tpu.memory_space<hbm>>
      %dma_wait3A_21 = tpu.memref_slice %arg6[%mul3A_2] : memref<16384xf32, #tpu.memory_space<hbm>> -> memref<512xf32, #tpu.memory_space<hbm>>
      tpu.wait_dma2 semaphore(%run_scoped3A : memref<!tpu.dma_semaphore, #tpu.memory_space<semaphore_mem>>) src(%arg11 : memref<512xf32, #tpu.memory_space<vmem>>) dst(%dma_wait3A_21 : memref<512xf32, #tpu.memory_space<hbm>>)
      tpu.yield
    }) : () -> ()
    return
  }
}

</mosaic_0001>

<sc_bundles>
// kernel: kernel.3.cloned.1.call-start
scs
__scs_entry_jumppad:
0x0: {  	(pc) =	sbr.rel $0x88, $3  }
0x1: {  	(tag) =	ssettag $0x0;
	lr =	simm.s32 $0x1  }
0x2: {  	[smem:$0x3F9D] =	sst lr;
	_ =	strace $0xD0000000  }
0x3: {  	_ = 	snop  }
0x4: {  	_ = 	snop  }
0x5: {  	_ = 	snop  }
0x6: {  	_ = 	snop  }
0x7: {  	_ = 	snop  }
__scs_overlays_trampoline_lowered:
0x8: {  	[smem:$0x3FAC] =	sst s0  }
0x9: {  	[smem:$0x3FAD] =	sst s1  }
0xa: {  	[smem:$0x3FAE] =	sst s2  }
0xb: {  	[smem:$0x3FAF] =	sst s3  }
0xc: {  	[smem:$0x3FB0] =	sst s4  }
0xd: {  	[smem:$0x3FB1] =	sst s5  }
0xe: {  	[smem:$0x3FB2] =	sst s6  }
0xf: {  	[smem:$0x3FB3] =	sst s7  }
0x10: {  	[smem:$0x3FB4] =	sst s8  }
0x11: {  	[smem:$0x3FB5] =	sst s9;
	s0 =	simm.s32 @!p0 $0x0  }
0x12: {  	s1 =	sld [smem:$0x3F9B];
	s0 =	simm.s32 @p0 $0x1  }
0x13: {  	[smem:$0x3FB6] =	sst s0;
	s0 =	simm.s32 @!p1 $0x0  }
0x14: {  	s2 =	sld [smem:$0x3F9A];
	s0 =	simm.s32 @p1 $0x1  }
0x15: {  	[smem:$0x3FB7] =	sst s0;
	s0 =	simm.s32 @!p2 $0x0  }
0x16: {  	s3 =	sld [smem:$0x3FDB];
	s0 =	simm.s32 @p2 $0x1  }
0x17: {  	s4 =	simm.s32 $0x1BF5;
	[smem:$0x3FB9] =	sst s0  }
0x18: {  	s0 =	sld [smem:$0x3F9C];
	_ =	swait.ge [sflag:s4], $0x0  }
0x19: {  	s7 =	sld [smem:$0x3F9D]  }
0x1a: {  	s8 =	sadd.s32 $0xFFFFE003, lr  }
0x1b: {  	s9 =	sadd.s32 $0xFFFFFEF7, lr;
	s5 =	simm.s32 $0xFFFFFFFF;
	p2 =	slt.u32 s8, $0xFFFFF086  }
0x1c: {  	p1 =	slt.u32 s9, $0xF7A;
	s5 =	simm.s32 @!p2 $0x0  }
0x1d: {  	s5 =	simm.s32 @p1 $0x1;
	p0 =	seq.s32 s7, s2  }
0x1e: {  	s7 =	smul.u32 @!p0 $0xF7A, s2;
	p2 =	seq.s32 @!p0 s5, $0x0  }
0x1f: {  	s9 =	smul.u32 $0xF7A, s1;
	s8 =	simm.s32 @!p0 $0x1BF5;
	p2 =	por !p2, p0  }
0x20: {  	[sflag:s8] =	ssyncset.s32 @!p0 $0xFFFFF086;
	s6 =	sadd.s32 @!p0 s3, s7;
	s7 =	simm.s32 @!p0 $0x108  }
0x21: {  	s3 =	sadd.s32 s3, s9;
	s6 =	sadd.s32 @!p0 $0x88, s6;
	s7 =	simm.s32 @p2 $0x1082  }
0x22: {  	[simem:s7], [sflag:s8] =	dma.local @!p0 [hbm:s6], $0xF7A  }
0x23: {  	s9 =	sor.u32 $0xD0000000, s2;
	s6 =	simm.s32 $0x108;
	_ =	swait.ge @!p0 [sflag:s8], $0x0  }
0x24: {  	s3 =	sadd.s32 $0x88, s3;
	s6 =	simm.s32 @!p1 $0x1082;
	[sflag:s4] =	ssyncset.s32 $0xFFFFF086  }
0x25: {  	[simem:s6], [sflag:s4] =	dma.local [hbm:s3], $0xF7A  }
0x26: {  	[smem:$0x3F9D] =	sst s1;
	(tag) =	ssettag s2;
	_ =	strace s9  }
0x27: {  	s1 =	sld [smem:$0x3FAD]  }
0x28: {  	s2 =	sld [smem:$0x3FAE]  }
0x29: {  	s4 =	sld [smem:$0x3FB0]  }
0x2a: {  	p0 =	seq.s32 s5, $0x0;
	s5 =	sld [smem:$0x3FB1]  }
0x2b: {  	s6 =	sld [smem:$0x3FB2]  }
0x2c: {  	s7 =	sld [smem:$0x3FB3]  }
0x2d: {  	s3 =	simm.s32 $0x108;
	s8 =	sld [smem:$0x3FB4]  }
0x2e: {  	s3 =	simm.s32 @!p0 $0x1082;
	s9 =	sld [smem:$0x3FB5]  }
0x2f: {  	lr =	sadd.s32 s0, s3;
	s0 =	sld [smem:$0x3FAC]  }
0x30: {  	s3 =	sld [smem:$0x3FAF]  }
0x31: {  	[smem:$0x3FB8] =	sst s10  }
0x32: {  	s10 =	sld [smem:$0x3FB6];
	_ =	sdelay $0x3  }
0x33: {  	p0 =	seq.s32 s10, $0x1;
	s10 =	sld [smem:$0x3FB8];
	_ =	sdelay $0x3  }
0x34: {  	[smem:$0x3FB8] =	sst s10  }
0x35: {  	s10 =	sld [smem:$0x3FB7];
	_ =	sdelay $0x3  }
0x36: {  	p1 =	seq.s32 s10, $0x1;
	s10 =	sld [smem:$0x3FB8];
	_ =	sdelay $0x3  }
0x37: {  	[smem:$0x3FB8] =	sst s10  }
0x38: {  	s10 =	sld [smem:$0x3FB9]  }
0x39: {  	_ = 	snop;
	(pc) =	sbr.ind lr, $3  }
0x3a: {  	_ = 	snop  }
0x3b: {  	_ = 	snop  }
0x3c: {  	p2 =	seq.s32 s10, $0x1;
	s10 =	sld [smem:$0x3FB8]  }
0x3d: {  	_ =	shalt  }
0x3e: {  	_ =	shalt  }
0x3f: {  	_ =	shalt  }
0x40: {  	_ =	shalt  }
0x41: {  	_ =	shalt  }
0x42: {  	_ =	shalt  }
0x43: {  	_ =	shalt  }
0x44: {  	_ =	shalt  }
0x45: {  	_ =	shalt  }
0x46: {  	_ =	shalt  }
0x47: {  	_ =	shalt  }
0x48: {  	_ =	shalt  }
0x49: {  	_ =	shalt  }
0x4a: {  	_ =	shalt  }
0x4b: {  	_ =	shalt  }
0x4c: {  	_ =	shalt  }
0x4d: {  	_ =	shalt  }
0x4e: {  	_ =	shalt  }
0x4f: {  	_ =	shalt  }
0x50: {  	_ =	shalt  }
0x51: {  	_ =	shalt  }
0x52: {  	_ =	shalt  }
0x53: {  	_ =	shalt  }
0x54: {  	_ =	shalt  }
0x55: {  	_ =	shalt  }
0x56: {  	_ =	shalt  }
0x57: {  	_ =	shalt  }
0x58: {  	_ =	shalt  }
0x59: {  	_ =	shalt  }
0x5a: {  	_ =	shalt  }
0x5b: {  	_ =	shalt  }
0x5c: {  	_ =	shalt  }
0x5d: {  	_ =	shalt  }
0x5e: {  	_ =	shalt  }
0x5f: {  	_ =	shalt  }
0x60: {  	_ =	shalt  }
0x61: {  	_ =	shalt  }
0x62: {  	_ =	shalt  }
0x63: {  	_ =	shalt  }
0x64: {  	_ =	shalt  }
0x65: {  	_ =	shalt  }
0x66: {  	_ =	shalt  }
0x67: {  	_ =	shalt  }
0x68: {  	_ =	shalt  }
0x69: {  	_ =	shalt  }
0x6a: {  	_ =	shalt  }
0x6b: {  	_ =	shalt  }
0x6c: {  	_ =	shalt  }
0x6d: {  	_ =	shalt  }
0x6e: {  	_ =	shalt  }
0x6f: {  	_ =	shalt  }
0x70: {  	_ =	shalt  }
0x71: {  	_ =	shalt  }
0x72: {  	_ =	shalt  }
0x73: {  	_ =	shalt  }
0x74: {  	_ =	shalt  }
0x75: {  	_ =	shalt  }
0x76: {  	_ =	shalt  }
0x77: {  	_ =	shalt  }
0x78: {  	_ =	shalt  }
0x79: {  	_ =	shalt  }
0x7a: {  	_ =	shalt  }
0x7b: {  	_ =	shalt  }
0x7c: {  	_ =	shalt  }
0x7d: {  	_ =	shalt  }
0x7e: {  	_ =	shalt  }
0x7f: {  	_ =	shalt  }
0x80: {  	_ =	shalt  }
0x81: {  	_ =	shalt  }
0x82: {  	_ =	shalt  }
0x83: {  	_ =	shalt  }
0x84: {  	_ =	shalt  }
0x85: {  	_ =	shalt  }
0x86: {  	_ =	shalt  }
0x87: {  	_ =	shalt  }
.Lfunc_end0:
.L_simem_size_0:
called_computation_lowered:
.L_overlay_start_0:
0x88: {  	s2 =	sld [smem:$0x3FD9]  }
0x89: {  	s3 =	sld [smem:$0x3FFE];
	_ =	sdelay $0x1  }
0x8a: {  	s1 =	srdreg.scid  }
0x8b: {  	s0 =	sand.u32 $0x1, s1  }
0x8c: {  	s17 =	sshll.u32 s0, $0xA;
	s2 =	sadd.s32 s3, s2  }
0x8d: {  	s2 =	sadd.s32 s2, s17  }
0x8e: {  	[smem:$0x3FC4] =	sst s2  }
0x8f: {  	_ = 	snop  }
0x90: {  	s2 =	sld [smem:$0x3FC9]  }
0x91: {  	s18 =	sld [smem:$0x3FC8]  }
0x92: {  	s4 =	sld [smem:$0x3FD0];
	(tm) =	ssettm $0x1  }
0x93: {  	s5 =	sld [smem:$0x3FFB];
	_ =	sdelay $0x3  }
0x94: {  	_ =	strace s5  }
0x95: {  	s5 =	sld [smem:$0x3FFC];
	_ =	sdelay $0x3  }
0x96: {  	_ =	strace s5  }
0x97: {  	s5 =	sld [smem:$0x3FFD];
	_ =	sdelay $0x3  }
0x98: {  	_ =	strace s5  }
0x99: {  	_ =	strace $0x8FFFFFFF  }
0x9a: {  	s19 =	sld [smem:$0x3FDB];
	_ =	sdelay $0x1  }
0x9b: {  	s6 =	simm.s32 $_scs_section_size  }
0x9c: {  	s7 =	simm.s32 $_size__tile_overlayer_lowered;
	s8 =	simm.s32 $_tile_overlayer_lowered  }
0x9d: {  	s22 =	simm.s32 $0x1BFF;
	s21 =	sshll.u32 s8, $0x1;
	s5 =	sadd.s32 s6, s19  }
0x9e: {  	s9 =	simm.s32 $0x0;
	s20 =	sshll.u32 s7, $0x1;
	s7 =	sadd.s32 s21, s5  }
0x9f: {  	[timem:s9], [sflag:s22] =	dma.local [hbm:s7], s20  }
0xa0: {  	_ =	swait.ge [sflag:s22], s20  }
0xa1: {  	s6 =	ssub.s32 $0x0, s20;
	[sflag:s22] =	ssyncset.done $0x0  }
0xa2: {  	[sflag:s22] =	ssyncadd.s32 s6;
	_ =	sdelay $0x1  }
0xa3: {  	s23 =	simm.s32 $0x1B8B  }
0xa4: {  	_ =	swait.ge [sflag:s23], $0x1  }
0xa5: {  	[sflag:s23] =	ssyncset.done $0x0  }
0xa6: {  	s25 =	simm.s32 $0x1B8E;
	s24 =	sld [smem:$0x3FFE];
	[sflag:s23] =	ssyncadd.s32 $0xFFFFFFFF  }
0xa7: {  	s26 =	simm.s32 $execute0_lowered;
	[smem:$0x3FD2] =	sst s25  }
0xa8: {  	s7 =	sshll.u32 s26, $0x1;
	_ =	strace $0x80000046;
	[dreg:$0x1] =	wrdreg $0xFFFFFFFF  }
0xa9: {  	s28 =	simm.s32 $_size_execute0_lowered;
	s5 =	sadd.s32 s5, s7;
	[dreg:$0x0] =	wrdreg $0x0  }
0xaa: {  	s7 =	sshll.u32 s28, $0x1;
	[dreg:$0x2] =	wrdreg s5  }
0xab: {  	[dreg:$0x3] =	wrdreg s7  }
0xac: {  	[dreg:$0x4] =	wrdreg $0xC0  }
0xad: {  	_ =	task [dreg:s9], $0x5FFFF  }
0xae: {  	[dreg:$0x1] =	wrdreg $0xFFFFFFFF  }
0xaf: {  	[dreg:$0x0] =	wrdreg $0x60  }
0xb0: {  	[dreg:$0x2] =	wrdreg s2  }
0xb1: {  	[dreg:$0x3] =	wrdreg s18  }
0xb2: {  	[dreg:$0x4] =	wrdreg s24  }
0xb3: {  	[dreg:$0x5] =	wrdreg s4  }
0xb4: {  	[dreg:$0x6] =	wrdreg $0x9  }
0xb5: {  	_ =	task.clear_ibuf [dreg:s9], $0x7FFFF;
	_ =	strace $0x90000046  }
0xb6: {  	s29 =	simm.s32 $0x9;
	_ =	strace $0x80000048  }
0xb7: {  	_ =	swait.ge [sflag:s29], $0x1  }
0xb8: {  	[sflag:s29] =	ssyncadd.s32 $0xFFFFFFFF  }
0xb9: {  	_ =	strace $0x90000048  }
0xba: {  	_ =	sfence  }
0xbb: {  	s30 =	sld [smem:$0x0];
	_ =	sdelay $0x2  }
0xbc: {  	s31 =	sshll.u32 s1, $0xD;
	s1 =	sshrl.u32 s1, $0x2  }
0xbd: {  	s3 =	sand.u32 $0x4000, s31;
	s1 =	sadd.s32 s1, s30  }
0xbe: {  	s0 =	sor.u32 s3, s0;
	s1 =	sshll.u32 s1, $0x11  }
0xbf: {  	s0 =	sor.u32 s1, s0  }
0xc0: {  	s0 =	sadd.s32 $0x8F2B, s0  }
0xc1: {  	[sflag:s0] =	ssyncadd.remote.s32 $0x1  }
0xc2: {  	_ =	sfence.sel $0xFFFF  }
0xc3: {  	[dreg:$0x0] =	wrdreg $0xFFFFFFFF;
	(pc) =	sbr.abs _section_cstart, $3  }
0xc4: {  	[dreg:$0x1] =	wrdreg $0xFFFFFFFF  }
0xc5: {  	_ =	task.clear_ibuf [dreg:s9], $0x2FFFF;
	_ =	strace $0x9FFFFFFF  }
0xc6: {  	(tm) =	ssettm $0x7FFFFFFF  }
0xc7: {  	_ =	shalt  }
tec
execute0_lowered:
.L_overlay_start_1:
0x0: {  	(tag) =	ssettag $0x1  }
0x1: {  	s5 =	rddreg [dreg:$0x0]  }
0x2: {  	s6 =	rddreg [dreg:$0x1]  }
0x3: {  	s4 =	rddreg [dreg:$0x2]  }
0x4: {  	s7 =	rddreg [dreg:$0x3]  }
0x5: {  	s0 =	rddreg [dreg:$0x4];
	s1 =	simm.s32 $0x0;
	s2 =	srdreg.scid  }
0x6: {  	s12 =	simm.s32 $0x8400;
	s13 =	simm.s32 $0x1;
	s14 =	simm.s32 $0x2  }
0x7: {  	s15 =	simm.s32 $0x10400;
	s16 =	simm.s32 $0x0;
	[smem:$0x7FF] =	sst s1  }
0x8: {  	s8 =	sand.u32 $0x1, s2;
	s3 =	sadd.s32 $0xF42800, s4;
	s2 =	stileid.u32  }
0x9: {  	vm0 =	vmmov $0x1;
	vm1 =	vmmov $0x3;
	vm2 =	vmmov $0x7;
	s4 =	sadd.s32 $0x16E3A00, s4;
	_ =	strace $0x80000047;
	s9 =	ssub.s32 $0x2, s8  }
0xa: {  	vm3 =	vmmov $0xf;
	vm4 =	vmmov $0x1f;
	vm5 =	vmmov $0x3f;
	s11 =	sshll.u32 s2, $0x7;
	s8 =	sshll.u32 s8, $0x6;
	s10 =	sshrl.u32 s9, $0x1  }
0xb: {  	vm6 =	vmmov $0x7f;
	vm7 =	vmmov $0xff;
	vm8 =	vmmov $0x1ff;
	s8 =	sor.u32 s8, s11;
	s11 =	simm.s32 $0x400;
	s9 =	ssub.s32 s9, s10  }
0xc: {  	vm9 =	vmmov $0x3ff;
	vm10 =	vmmov $0x7ff;
	vm11 =	vmmov $0xfff;
	s5 =	sadd.s32 s5, s8;
	s6 =	sadd.s32 s6, s8;
	s7 =	sadd.s32 s7, s8  }
0xd: {  	vm12 =	vmmov $0x1fff;
	vm13 =	vmmov $0x3fff;
	vm14 =	vmmov $0x7fff;
	s10 =	simm.s32 $0x200;
	s8 =	smax.u32 s9, $0x1;
	s9 =	simm.s32 $0x3  }
.LBB2_1:
0xe: {  	[tilespmem:s1], [sflag:$0x3] =	stream.linear.gather [hbm4b:s5+s1], $0x200, $0x38;
	[tilespmem:$0x10600] =	vst v63  }
0xf: {  	_ =	swait.ge [sflag:s9], $0x200  }
0x10: {  	[sflag:s9] =	ssyncset.done $0x0  }
0x11: {  	[sflag:s9] =	ssyncadd.s32 $0xFFFFFE00  }
0x12: {  	[tilespmem:s10], [sflag:$0x3] =	stream.linear.gather [hbm4b:s6+s1], $0x200, $0x38;
	[tilespmem:$0x10600] =	vst v63  }
0x13: {  	_ =	swait.ge [sflag:s9], $0x200  }
0x14: {  	[sflag:s9] =	ssyncset.done $0x0  }
0x15: {  	[sflag:s9] =	ssyncadd.s32 $0xFFFFFE00  }
0x16: {  	[tilespmem:s11], [sflag:$0x1] =	stream.indirect.gather [hbm4b:s3+s10], $0x40, s1, s10, $0xb8;
	[tilespmem:$0x10600] =	vst v63  }
0x17: {  	_ = 	snop  }
0x18: {  	[tilespmem:s12], [sflag:$0x2] =	stream.indirect.gather [hbm4b:s4+s10], $0x40, s10, s10, $0xb8;
	[tilespmem:$0x10600] =	vst v63  }
0x19: {  	_ =	swait.ge [sflag:s13], $0x8000  }
0x1a: {  	[sflag:s13] =	ssyncset.done $0x0  }
0x1b: {  	[sflag:s13] =	ssyncadd.s32 $0xFFFF8000  }
0x1c: {  	_ =	swait.ge [sflag:s14], $0x8000  }
0x1d: {  	[sflag:s14] =	ssyncset.done $0x0  }
0x1e: {  	s17 =	simm.s32 $0x0;
	[sflag:s14] =	ssyncadd.s32 $0xFFFF8000  }
0x1f: {  	v20 =	vld [tilespmem:s17+$0x7B0]  }
0x20: {  	v21 =	vld [tilespmem:s17+$0x87B0]  }
0x21: {  	v0 =	vld [tilespmem:s17+$0x7D0]  }
0x22: {  	v52 =	vld [tilespmem:s17+$0x87D0]  }
0x23: {  	v22 =	vld [tilespmem:s17+$0x7A0]  }
0x24: {  	v23 =	vld [tilespmem:s17+$0x87A0]  }
0x25: {  	v53 =	vld [tilespmem:s17+$0x7C0]  }
0x26: {  	v54 =	vld [tilespmem:s17+$0x87C0]  }
0x27: {  	v24 =	vld [tilespmem:s17+$0x730]  }
0x28: {  	v25 =	vld [tilespmem:s17+$0x8730]  }
0x29: {  	v55 =	vld [tilespmem:s17+$0x760]  }
0x2a: {  	v26 =	vld [tilespmem:s17+$0x790]  }
0x2b: {  	v27 =	vld [tilespmem:s17+$0x8790]  }
0x2c: {  	v28 =	vld [tilespmem:s17+$0x6F0]  }
0x2d: {  	v29 =	vld [tilespmem:s17+$0x86F0]  }
0x2e: {  	v30 =	vld [tilespmem:s17+$0x720]  }
0x2f: {  	v31 =	vld [tilespmem:s17+$0x8720]  }
0x30: {  	v56 =	vld [tilespmem:s17+$0x750]  }
0x31: {  	v57 =	vld [tilespmem:s17+$0x8750]  }
0x32: {  	v32 =	vld [tilespmem:s17+$0x780]  }
0x33: {  	v33 =	vld [tilespmem:s17+$0x8780]  }
0x34: {  	v34 =	vld [tilespmem:s17+$0x6E0]  }
0x35: {  	v35 =	vld [tilespmem:s17+$0x86E0]  }
0x36: {  	v36 =	vld [tilespmem:s17+$0x710]  }
0x37: {  	v37 =	vld [tilespmem:s17+$0x8710]  }
0x38: {  	v58 =	vld [tilespmem:s17+$0x740]  }
0x39: {  	v59 =	vld [tilespmem:s17+$0x8740]  }
0x3a: {  	v38 =	vld [tilespmem:s17+$0x670]  }
0x3b: {  	v39 =	vld [tilespmem:s17+$0x8670]  }
0x3c: {  	v60 =	vld [tilespmem:s17+$0x6A0]  }
0x3d: {  	v40 =	vld [tilespmem:s17+$0x6D0]  }
0x3e: {  	v41 =	vld [tilespmem:s17+$0x86D0]  }
0x3f: {  	v42 =	vld [tilespmem:s17+$0x700]  }
0x40: {  	v43 =	vld [tilespmem:s17+$0x8700]  }
0x41: {  	v44 =	vld [tilespmem:s17+$0x630]  }
0x42: {  	v45 =	vld [tilespmem:s17+$0x8630]  }
0x43: {  	v46 =	vld [tilespmem:s17+$0x660]  }
0x44: {  	v47 =	vld [tilespmem:s17+$0x8660]  }
0x45: {  	v61 =	vld [tilespmem:s17+$0x690]  }
0x46: {  	v62 =	vld [tilespmem:s17+$0x8690]  }
0x47: {  	v48 =	vld [tilespmem:s17+$0x6C0]  }
0x48: {  	v49 =	vld [tilespmem:s17+$0x86C0]  }
0x49: {  	v50 =	vld [tilespmem:s17+$0x620]  }
0x4a: {  	v51 =	vld [tilespmem:s17+$0x8620]  }
0x4b: {  	v63 =	vld [tilespmem:s17+$0x680]  }
0x4c: {  	v4 =	vld [tilespmem:s17+$0x8680]  }
0x4d: {  	v5 =	vld [tilespmem:s17+$0x5E0]  }
0x4e: {  	v6 =	vld [tilespmem:s17+$0x5D0]  }
0x4f: {  	v7 =	vld [tilespmem:s17+$0x85D0]  }
0x50: {  	v3 =	vld [tilespmem:s17+$0x600]  }
0x51: {  	v10 =	vld [tilespmem:s17+$0x560]  }
0x52: {  	v9 =	vld [tilespmem:s17+$0x8560]  }
0x53: {  	v1 =	vld [tilespmem:s17+$0x5C0]  }
0x54: {  	v8 =	vld [tilespmem:s17+$0x85C0]  }
0x55: {  	v16 =	vld [tilespmem:s17+$0x4F0]  }
0x56: {  	v15 =	vld [tilespmem:s17+$0x84F0]  }
0x57: {  	v11 =	vld [tilespmem:s17+$0x520]  }
0x58: {  	v2 =	vld [tilespmem:s17+$0x580]  }
0x59: {  	v14 =	vld [tilespmem:s17+$0x4B0]  }
0x5a: {  	v13 =	vld [tilespmem:s17+$0x84B0]  }
0x5b: {  	v12 =	vld [tilespmem:s17+$0x4E0]  }
0x5c: {  	v19 =	vld [tilespmem:s17+$0x510]  }
0x5d: {  	v18 =	vld [tilespmem:s17+$0x8510]  }
0x5e: {  	v17 =	vld [tilespmem:s17+$0x430]  }
0x5f: {  	[tilespmem:$0x1FEC0] =	vst v52;
	v52 =	vld [tilespmem:s17+$0x650]  }
0x60: {  	[tilespmem:$0x1FE90] =	vst v53;
	v53 =	vld [tilespmem:s17+$0x8650]  }
0x61: {  	[tilespmem:$0x1FEA0] =	vst v54;
	v54 =	vld [tilespmem:s17+$0x5B0]  }
0x62: {  	[tilespmem:$0x1FE80] =	vst v55;
	v55 =	vld [tilespmem:s17+$0x85B0]  }
0x63: {  	[tilespmem:$0x1FE60] =	vst v56;
	v56 =	vld [tilespmem:s17+$0x610]  }
0x64: {  	[tilespmem:$0x1FE70] =	vst v57;
	v57 =	vld [tilespmem:s17+$0x8610]  }
0x65: {  	[tilespmem:$0x1FE30] =	vst v58;
	v58 =	vld [tilespmem:s17+$0x640]  }
0x66: {  	[tilespmem:$0x1FE40] =	vst v59;
	v59 =	vld [tilespmem:s17+$0x8640]  }
0x67: {  	[tilespmem:$0x1FE50] =	vst v60;
	v60 =	vld [tilespmem:s17+$0x570]  }
0x68: {  	[tilespmem:$0x1FE10] =	vst v61;
	v61 =	vld [tilespmem:s17+$0x8570]  }
0x69: {  	[tilespmem:$0x1FE20] =	vst v62;
	v62 =	vld [tilespmem:s17+$0x5A0]  }
0x6a: {  	[tilespmem:$0x1FDE0] =	vst v63;
	v63 =	vld [tilespmem:s17+$0x85A0]  }
0x6b: {  	[tilespmem:$0x1FEB0] =	vst v0;
	v0 =	vld [tilespmem:s17+$0x8600]  }
0x6c: {  	[tilespmem:$0x1FDC0] =	vst v6;
	v6 =	vld [tilespmem:s17+$0x590]  }
0x6d: {  	[tilespmem:$0x1FE00] =	vst v5;
	v5 =	vld [tilespmem:s17+$0x8590]  }
0x6e: {  	[tilespmem:$0x1FDA0] =	vst v8;
	v8 =	vld [tilespmem:s17+$0x550]  }
0x6f: {  	[tilespmem:$0x1FDD0] =	vst v7;
	v7 =	vld [tilespmem:s17+$0x8550]  }
0x70: {  	[tilespmem:$0x1FD90] =	vst v1;
	v1 =	vld [tilespmem:s17+$0x8580]  }
0x71: {  	[tilespmem:$0x1FDB0] =	vst v11;
	v11 =	vld [tilespmem:s17+$0x84E0]  }
0x72: {  	[tilespmem:$0x1FDF0] =	vst v4;
	v4 =	vld [tilespmem:s17+$0x540]  }
0x73: {  	v32 =	vmul.f32 v33, v32;
	v33 =	vld [tilespmem:s17+$0x8540]  }
0x74: {  	v42 =	vmul.f32 v43, v42;
	v43 =	vld [tilespmem:s17+$0x4A0]  }
0x75: {  	v22 =	vmul.f32 v23, v22;
	v23 =	vld [tilespmem:s17+$0x84A0]  }
0x76: {  	v48 =	vmul.f32 v49, v48;
	v46 =	vmul.f32 v47, v46;
	v47 =	vld [tilespmem:s17+$0x8490]  }
0x77: {  	v26 =	vmul.f32 v27, v26;
	v27 =	vadd.f32 $0.0e+00, v32;
	v32 =	vld [tilespmem:s17+$0x8430]  }
0x78: {  	v49 =	vadd.f32 $0.0e+00, v48;
	v48 =	vld [tilespmem:s17+$0x480]  }
0x79: {  	v26 =	vadd.f32 v26, v27;
	v27 =	vmul.f32 v37, v36;
	v37 =	vld [tilespmem:s17+$0x4D0]  }
0x7a: {  	v36 =	vadd.f32 $0.0e+00, v42;
	v11 =	vmul.f32 v11, v12;
	v12 =	vld [tilespmem:s17+$0x460]  }
0x7b: {  	v22 =	vadd.f32 v22, v26;
	v26 =	vld [tilespmem:s17+$0x84D0]  }
0x7c: {  	v20 =	vmul.f32 v21, v20;
	v21 =	vadd.f32 v27, v36;
	v27 =	vmul.f32 v31, v30;
	v30 =	vld [tilespmem:s17+$0x500]  }
0x7d: {  	v31 =	vmul.f32 v41, v40;
	v40 =	vld [tilespmem:s17+$0x8500]  }
0x7e: {  	v41 =	vmul.f32 v53, v52;
	v52 =	vmul.f32 v63, v62;
	v63 =	vld [tilespmem:s17+$0x470]  }
0x7f: {  	v62 =	vmul.f32 v15, v16;
	v15 =	vld [tilespmem:s17+$0x8520]  }
0x80: {  	v21 =	vadd.f32 v27, v21;
	v27 =	vld [tilespmem:s17+$0x420]  }
0x81: {  	v24 =	vmul.f32 v25, v24;
	v25 =	vadd.f32 v31, v49;
	v31 =	vmul.f32 v35, v34;
	v34 =	vld [tilespmem:s17+$0x8420]  }
0x82: {  	v49 =	vld [tilespmem:s17+$0x8480]  }
0x83: {  	v20 =	vadd.f32 v20, v22;
	v22 =	vmul.f32 v59, v58;
	v58 =	vld [tilespmem:s17+$0x440]  }
0x84: {  	v59 =	vld [tilespmem:s17+$0x8440]  }
0x85: {  	v35 =	vld [tilespmem:s17+$0x8470]  }
0x86: {  	v4 =	vmul.f32 v33, v4;
	v42 =	vadd.f32 $0.0e+00, v22;
	v22 =	vld [tilespmem:s17+$0x490]  }
0x87: {  	v21 =	vadd.f32 v24, v21;
	v24 =	vadd.f32 v31, v25;
	v25 =	vmul.f32 v29, v28;
	v28 =	vld [tilespmem:s17+$0x4C0]  }
0x88: {  	v7 =	vmul.f32 v7, v8;
	v4 =	vadd.f32 $0.0e+00, v4;
	v31 =	vld [tilespmem:s17+$0x84C0]  }
0x89: {  	v0 =	vmul.f32 v0, v3;
	v29 =	vmul.f32 v57, v56;
	v56 =	vld [tilespmem:s17+$0x8410]  }
0x8a: {  	v53 =	vmul.f32 v9, v10;
	v4 =	vadd.f32 v7, v4;
	v57 =	vmul.f32 v55, v54;
	v54 =	vld [tilespmem:$0x1FDD0]  }
0x8b: {  	v0 =	vadd.f32 $0.0e+00, v0;
	v55 =	vld [tilespmem:s17+$0x86A0]  }
0x8c: {  	v4 =	vadd.f32 v53, v4;
	v53 =	vld [tilespmem:$0x1FDC0]  }
0x8d: {  	v0 =	vadd.f32 v29, v0;
	v29 =	vmul.f32 v51, v50;
	v50 =	vld [tilespmem:s17+$0x410]  }
0x8e: {  	v51 =	vld [tilespmem:s17+$0x8400]  }
0x8f: {  	v24 =	vadd.f32 v25, v24;
	v25 =	vmul.f32 v39, v38;
	v38 =	vld [tilespmem:s17+$0x530]  }
0x90: {  	v3 =	vadd.f32 v41, v42;
	v41 =	vld [tilespmem:s17+$0x8530]  }
0x91: {  	v42 =	vmul.f32 v32, v17;
	v32 =	vld [tilespmem:$0x1FE10]  }
0x92: {  	v17 =	vld [tilespmem:$0x1FEA0]  }
0x93: {  	v5 =	vmul.f32 v5, v6;
	v6 =	vmul.f32 v49, v48;
	v49 =	vld [tilespmem:$0x1FDB0]  }
0x94: {  	v1 =	vmul.f32 v1, v2;
	v7 =	vmul.f32 v59, v58;
	v58 =	vld [tilespmem:$0x1FDE0];
	v3 =	vadd.f32 v46, v3  }
0x95: {  	v59 =	vld [tilespmem:$0x1FDF0]  }
0x96: {  	v33 =	vmul.f32 v13, v14;
	v1 =	vadd.f32 $0.0e+00, v1;
	v3 =	vadd.f32 v25, v3;
	v25 =	vld [tilespmem:s17+$0x400]  }
0x97: {  	v13 =	vmul.f32 v34, v27;
	v34 =	vld [tilespmem:$0x1FE40];
	v0 =	vadd.f32 v29, v0;
	v29 =	vmul.f32 v45, v44  }
0x98: {  	v1 =	vadd.f32 v5, v1;
	v26 =	vmul.f32 v26, v37;
	v28 =	vmul.f32 v31, v28;
	v31 =	vld [tilespmem:s17+$0x450]  }
0x99: {  	v6 =	vadd.f32 $0.0e+00, v6;
	v2 =	vmul.f32 v47, v22;
	v22 =	vld [tilespmem:s17+$0x8450];
	v0 =	vadd.f32 v29, v0  }
0x9a: {  	v29 =	vmul.f32 v61, v60;
	v61 =	vmul.f32 v23, v43;
	v23 =	vld [tilespmem:s17+$0x8460];
	v28 =	vadd.f32 $0.0e+00, v28  }
0x9b: {  	(xrf2) =	vadd.scan.msk.f32 $0xffff, v20;
	v1 =	vadd.f32 v52, v1;
	v45 =	vld [tilespmem:$0x1FD90];
	v8 =	vmul.f32 v51, v25  }
0x9c: {  	v37 =	vmul.f32 v40, v30;
	(xrf2) =	vadd.scan.msk.f32 $0xffff, v21;
	v46 =	vld [tilespmem:$0x1FDA0];
	v2 =	vadd.f32 v2, v6;
	v60 =	vadd.f32 v26, v28  }
0x9d: {  	(xrf2) =	vadd.scan.msk.f32 $0xffff, v24;
	v7 =	vadd.f32 $0.0e+00, v7;
	v47 =	vld [tilespmem:s17+$0x5F0];
	v9 =	vmul.f32 v56, v50;
	v8 =	vadd.f32 $0.0e+00, v8  }
0x9e: {  	v50 =	vld [tilespmem:s17+$0x85F0];
	(xrf2) =	vadd.scan.msk.f32 $0xffff, v3;
	v3 =	vmul.f32 v15, v49;
	v2 =	vadd.f32 v61, v2;
	v5 =	vadd.f32 v11, v60  }
0x9f: {  	v15 =	vld [tilespmem:$0x1FE70];
	v14 =	vmul.f32 v22, v31;
	v40 =	vmul.f32 v23, v12;
	v8 =	vadd.f32 v9, v8  }
0xa0: {  	v61 =	vld [tilespmem:$0x1FE00];
	v12 =	vmul.f32 v18, v19;
	v36 =	vadd.f32 v62, v5;
	v5 =	vadd.f32 $0.0e+00, v37  }
0xa1: {  	v1 =	vadd.f32 v57, v1;
	v39 =	vadd.f32 v13, v8;
	v13 =	vld [tilespmem:s17+$0x85E0]  }
0xa2: {  	v7 =	vadd.f32 v14, v7;
	v48 =	vadd.f32 v12, v5;
	v12 =	vld [tilespmem:$0x1FE20];
	v8 =	vmul.f32 v46, v45  }
0xa3: {  	v44 =	vmul.f32 v35, v63;
	v4 =	vadd.f32 v29, v4;
	v2 =	vadd.f32 v33, v2;
	v33 =	vld [tilespmem:$0x1FE30]  }
0xa4: {  	(xrf2) =	vadd.scan.msk.f32 $0xffff, v0;
	v60 =	vld [tilespmem:s17+$0x6B0];
	v43 =	vadd.f32 v40, v7;
	v7 =	vmul.f32 v54, v53;
	v52 =	vadd.f32 $0.0e+00, v8  }
0xa5: {  	(xrf2) =	vadd.scan.msk.f32 $0xffff, v1;
	v40 =	vld [tilespmem:$0x1FE60];
	v56 =	vadd.f32 v3, v48;
	v3 =	vmul.f32 v59, v58  }
0xa6: {  	(xrf2) =	vadd.scan.msk.f32 $0xffff, v4;
	v51 =	vadd.f32 v44, v43;
	v44 =	vld [tilespmem:$0x1FE80];
	v4 =	vadd.f32 v7, v52;
	v7 =	vmul.f32 v13, v61  }
0xa7: {  	v63 =	vadd.f32 $0.0e+00, v3;
	v3 =	vmul.f32 v12, v32;
	v12 =	vld [tilespmem:s17+$0x8760]  }
0xa8: {  	v18 =	vld [tilespmem:$0x1FEC0];
	(xrf2) =	vadd.scan.msk.f32 $0xffff, v36;
	v0 =	vadd.f32 v42, v39;
	v4 =	vadd.f32 v7, v4;
	v7 =	vmul.f32 v34, v33  }
0xa9: {  	v57 =	vmul.f32 v41, v38;
	v36 =	vld [tilespmem:$0x1FE50];
	(xrf2) =	vadd.scan.msk.f32 $0xffff, v2  }
0xaa: {  	v62 =	vld [tilespmem:s17+$0x86B0];
	v5 =	vmul.f32 v50, v47;
	(xrf2) =	vadd.scan.msk.f32 $0xffff, v0;
	v39 =	vadd.f32 $0.0e+00, v7;
	v7 =	vmul.f32 v15, v40  }
0xab: {  	v10, _, _ =	vpop (xrf2);
	v46 =	vld [tilespmem:$0x1FEB0];
	v0 =	vadd.f32 v57, v56;
	(xrf2) =	vadd.scan.msk.f32 $0xffff, v51  }
0xac: {  	v2, _, _ =	vpop (xrf2);
	v4 =	vadd.f32 v5, v4;
	v5 =	vadd.f32 v7, v39;
	v7 =	vmul.f32 v12, v44;
	v12 =	vld [tilespmem:$0x1FE90]  }
0xad: {  	v35 =	vld [tilespmem:s17+$0x770];
	v13, _, _ =	vpop (xrf2)  }
0xae: {  	v37 =	vld [tilespmem:s17+$0x8770];
	v1 =	vadd.f32 v3, v63;
	v3 =	vmul.f32 v55, v36;
	v14, _, _ =	vpop (xrf2);
	(xrf2) =	vadd.scan.msk.f32 $0xffff, v0  }
0xaf: {  	v42 =	vld [tilespmem:s17+$0x87E0];
	v38, _, _ =	vpop (xrf2)  }
0xb0: {  	v41 =	vmul.f32 v62, v60;
	v1 =	vadd.f32 v3, v1;
	v16, _, _ =	vpop (xrf2);
	v15 =	vld [tilespmem:s17+$0x7E0]  }
0xb1: {  	v3 =	vmul.f32 v18, v46;
	v18 =	vld [tilespmem:s17+$0x87F0];
	v43, _, _ =	vpop (xrf2);
	(xrf2) =	vadd.scan.msk.f32 $0xffff, v4;
	v12 =	vmul.f32 v17, v12  }
0xb2: {  	v1 =	vadd.f32 v41, v1;
	v45, _, _ =	vpop (xrf2);
	v17 =	vld [tilespmem:s17+$0x7F0]  }
0xb3: {  	v47 =	vmul.f32 v37, v35;
	v19, _, _ =	vpop (xrf2);
	v5 =	vadd.f32 v7, v5;
	v48 =	vadd.f32 $0.0e+00, v12  }
0xb4: {  	(xrf2) =	vadd.scan.msk.f32 $0xffff, v1;
	v49, _, _ =	vpop (xrf2)  }
0xb5: {  	v51 =	vmul.f32 v42, v15;
	v50 =	vadd.f32 v47, v5;
	v52, _, _ =	vpop (xrf2);
	v3 =	vadd.f32 v3, v48  }
0xb6: {  	v53 =	vbroadcast v49, $0xF;
	v6 =	vbroadcast v52, $0xF  }
0xb7: {  	v54 =	vbroadcast v19, $0xF;
	(xrf2) =	vadd.scan.msk.f32 $0xffff, v50;
	v55 =	vmul.f32 v18, v17;
	v3 =	vadd.f32 v51, v3  }
0xb8: {  	v4 =	vbroadcast v45, $0xF;
	v57, _, _ =	vpop (xrf2);
	v56 =	vsel vm0, v53, v6  }
0xb9: {  	v6 =	vbroadcast v57, $0xF;
	v1 =	vsel vm1, v56, v54;
	v3 =	vadd.f32 v55, v3  }
0xba: {  	v58 =	vbroadcast v43, $0xF;
	v1 =	vsel vm2, v1, v4  }
0xbb: {  	v59 =	vbroadcast v16, $0xF;
	v1 =	vsel vm3, v1, v6;
	v60, _, _ =	vpop (xrf2);
	(xrf2) =	vadd.scan.msk.f32 $0xffff, v3  }
0xbc: {  	v1 =	vsel vm4, v1, v58;
	v61 =	vbroadcast v60, $0xF  }
0xbd: {  	v0 =	vbroadcast v38, $0xF;
	v1 =	vsel vm5, v1, v59  }
0xbe: {  	v62 =	vbroadcast v14, $0xF;
	v63, _, _ =	vpop (xrf2);
	v1 =	vsel vm6, v1, v61  }
0xbf: {  	v6 =	vbroadcast v63, $0xF;
	v0 =	vsel vm7, v1, v0  }
0xc0: {  	v7 =	vbroadcast v13, $0xF;
	v0 =	vsel vm8, v0, v62  }
0xc1: {  	v8 =	vbroadcast v2, $0xF;
	v0 =	vsel vm9, v0, v6;
	v9, _, _ =	vpop (xrf2)  }
0xc2: {  	v0 =	vsel vm10, v0, v7;
	v2 =	vbroadcast v9, $0xF  }
0xc3: {  	v11 =	vbroadcast v10, $0xF;
	v0 =	vsel vm11, v0, v8  }
0xc4: {  	v0 =	vsel vm12, v0, v2  }
0xc5: {  	v0 =	vsel vm13, v0, v11;
	v32, _, _ =	vpop (xrf2)  }
0xc6: {  	v0 =	vsel vm14, v0, v32  }
0xc7: {  	s17 =	simm.s32 $0x400;
	[tilespmem:s15+$0x0] =	vst v0  }
0xc8: {  	v22 =	vld [tilespmem:s17+$0x7B0]  }
0xc9: {  	v53 =	vld [tilespmem:s17+$0x87B0]  }
0xca: {  	v17 =	vld [tilespmem:s17+$0x7D0]  }
0xcb: {  	v0 =	vld [tilespmem:s17+$0x87D0]  }
0xcc: {  	v3 =	vld [tilespmem:s17+$0x7A0]  }
0xcd: {  	v29 =	vld [tilespmem:s17+$0x87A0]  }
0xce: {  	v33 =	vld [tilespmem:s17+$0x7C0]  }
0xcf: {  	v34 =	vld [tilespmem:s17+$0x87C0]  }
0xd0: {  	v21 =	vld [tilespmem:s17+$0x730]  }
0xd1: {  	v24 =	vld [tilespmem:s17+$0x8730]  }
0xd2: {  	v35 =	vld [tilespmem:s17+$0x760]  }
0xd3: {  	v27 =	vld [tilespmem:s17+$0x790]  }
0xd4: {  	v8 =	vld [tilespmem:s17+$0x6F0]  }
0xd5: {  	v10 =	vld [tilespmem:s17+$0x86F0]  }
0xd6: {  	v52 =	vld [tilespmem:s17+$0x720]  }
0xd7: {  	v37 =	vld [tilespmem:s17+$0x8720]  }
0xd8: {  	v36 =	vld [tilespmem:s17+$0x750]  }
0xd9: {  	v38 =	vld [tilespmem:s17+$0x8750]  }
0xda: {  	v23 =	vld [tilespmem:s17+$0x780]  }
0xdb: {  	v39 =	vld [tilespmem:s17+$0x6E0]  }
0xdc: {  	v61 =	vld [tilespmem:s17+$0x86E0]  }
0xdd: {  	v43 =	vld [tilespmem:s17+$0x710]  }
0xde: {  	v44 =	vld [tilespmem:s17+$0x8710]  }
0xdf: {  	v40 =	vld [tilespmem:s17+$0x740]  }
0xe0: {  	v41 =	vld [tilespmem:s17+$0x8740]  }
0xe1: {  	v6 =	vld [tilespmem:s17+$0x670]  }
0xe2: {  	v7 =	vld [tilespmem:s17+$0x8670]  }
0xe3: {  	v42 =	vld [tilespmem:s17+$0x6A0]  }
0xe4: {  	v32 =	vld [tilespmem:s17+$0x6D0]  }
0xe5: {  	v48 =	vld [tilespmem:s17+$0x86D0]  }
0xe6: {  	v49 =	vld [tilespmem:s17+$0x700]  }
0xe7: {  	v50 =	vld [tilespmem:s17+$0x8700]  }
0xe8: {  	v9 =	vld [tilespmem:s17+$0x630]  }
0xe9: {  	v11 =	vld [tilespmem:s17+$0x8630]  }
0xea: {  	v45 =	vld [tilespmem:s17+$0x660]  }
0xeb: {  	v62 =	vld [tilespmem:s17+$0x8660]  }
0xec: {  	v46 =	vld [tilespmem:s17+$0x690]  }
0xed: {  	v47 =	vld [tilespmem:s17+$0x8690]  }
0xee: {  	v55 =	vld [tilespmem:s17+$0x6C0]  }
0xef: {  	v56 =	vld [tilespmem:s17+$0x86C0]  }
0xf0: {  	v51 =	vld [tilespmem:s17+$0x620]  }
0xf1: {  	v58 =	vld [tilespmem:s17+$0x8620]  }
0xf2: {  	v59 =	vld [tilespmem:s17+$0x650]  }
0xf3: {  	v60 =	vld [tilespmem:s17+$0x8650]  }
0xf4: {  	v54 =	vld [tilespmem:s17+$0x680]  }
0xf5: {  	v57 =	vld [tilespmem:s17+$0x8680]  }
0xf6: {  	v12 =	vld [tilespmem:s17+$0x5B0]  }
0xf7: {  	v13 =	vld [tilespmem:s17+$0x85B0]  }
0xf8: {  	v63 =	vld [tilespmem:s17+$0x5E0]  }
0xf9: {  	v4 =	vld [tilespmem:s17+$0x570]  }
0xfa: {  	v5 =	vld [tilespmem:s17+$0x8570]  }
0xfb: {  	v2 =	vld [tilespmem:s17+$0x85A0]  }
0xfc: {  	v15 =	vld [tilespmem:s17+$0x5D0]  }
0xfd: {  	v16 =	vld [tilespmem:s17+$0x85D0]  }
0xfe: {  	v1 =	vld [tilespmem:s17+$0x600]  }
0xff: {  	v14 =	vld [tilespmem:s17+$0x560]  }
0x100: {  	v18 =	vld [tilespmem:s17+$0x5C0]  }
0x101: {  	v19 =	vld [tilespmem:s17+$0x85C0]  }
0x102: {  	v26 =	vld [tilespmem:s17+$0x84F0]  }
0x103: {  	v20 =	vld [tilespmem:s17+$0x520]  }
0x104: {  	v25 =	vld [tilespmem:s17+$0x4B0]  }
0x105: {  	v28 =	vld [tilespmem:s17+$0x84B0]  }
0x106: {  	v30 =	vld [tilespmem:s17+$0x4E0]  }
0x107: {  	v31 =	vld [tilespmem:s17+$0x84E0]  }
0x108: {  	[tilespmem:$0x1FEF0] =	vst v34;
	v34 =	vld [tilespmem:s17+$0x8790]  }
0x109: {  	[tilespmem:$0x1FF00] =	vst v35;
	v35 =	vld [tilespmem:s17+$0x8780]  }
0x10a: {  	[tilespmem:$0x1FFA0] =	vst v63;
	v63 =	vld [tilespmem:s17+$0x610]  }
0x10b: {  	[tilespmem:$0x1FF60] =	vst v46;
	v46 =	vld [tilespmem:s17+$0x8610]  }
0x10c: {  	[tilespmem:$0x1FF10] =	vst v36;
	v36 =	vld [tilespmem:s17+$0x640]  }
0x10d: {  	[tilespmem:$0x1FEE0] =	vst v33;
	v33 =	vld [tilespmem:s17+$0x8640]  }
0x10e: {  	[tilespmem:$0x1FF90] =	vst v57;
	v57 =	vld [tilespmem:s17+$0x5A0]  }
0x10f: {  	[tilespmem:$0x1FED0] =	vst v0;
	v0 =	vld [tilespmem:s17+$0x8600]  }
0x110: {  	[tilespmem:$0x1FFE0] =	vst v14;
	v14 =	vld [tilespmem:s17+$0x8560]  }
0x111: {  	[tilespmem:$0x1FFC0] =	vst v45;
	v45 =	vld [tilespmem:s17+$0x590]  }
0x112: {  	[tilespmem:$0x1FF50] =	vst v42;
	v42 =	vld [tilespmem:s17+$0x8590]  }
0x113: {  	[tilespmem:$0x1FF80] =	vst v54;
	v54 =	vld [tilespmem:s17+$0x4F0]  }
0x114: {  	[tilespmem:$0x1FFD0] =	vst v51;
	v51 =	vld [tilespmem:s17+$0x550]  }
0x115: {  	[tilespmem:$0x1FF70] =	vst v47;
	v47 =	vld [tilespmem:s17+$0x8550]  }
0x116: {  	[tilespmem:$0x1FF30] =	vst v40;
	v40 =	vld [tilespmem:s17+$0x580]  }
0x117: {  	[tilespmem:$0x1FF20] =	vst v38;
	v38 =	vld [tilespmem:s17+$0x8580]  }
0x118: {  	[tilespmem:$0x1FF40] =	vst v41;
	v41 =	vld [tilespmem:s17+$0x540]  }
0x119: {  	[tilespmem:$0x1FFB0] =	vst v39;
	v39 =	vld [tilespmem:s17+$0x8540];
	v49 =	vmul.f32 v50, v49  }
0x11a: {  	v3 =	vmul.f32 v29, v3;
	v29 =	vld [tilespmem:s17+$0x8430];
	v43 =	vmul.f32 v44, v43  }
0x11b: {  	v55 =	vmul.f32 v56, v55;
	v37 =	vmul.f32 v37, v52;
	v52 =	vld [tilespmem:s17+$0x84D0]  }
0x11c: {  	v56 =	vmul.f32 v53, v22;
	v48 =	vmul.f32 v48, v32;
	v32 =	vld [tilespmem:s17+$0x500];
	v44 =	vadd.f32 $0.0e+00, v49  }
0x11d: {  	v53 =	vmul.f32 v24, v21;
	v21 =	vld [tilespmem:$0x1FFB0];
	v49 =	vadd.f32 $0.0e+00, v55;
	v35 =	vmul.f32 v35, v23  }
0x11e: {  	v43 =	vadd.f32 v43, v44;
	v44 =	vld [tilespmem:s17+$0x4D0]  }
0x11f: {  	v48 =	vadd.f32 v48, v49;
	v49 =	vld [tilespmem:$0x1FFC0];
	v34 =	vmul.f32 v34, v27;
	v35 =	vadd.f32 $0.0e+00, v35  }
0x120: {  	[tilespmem:$0x1FFF0] =	vst v14;
	v14 =	vld [tilespmem:s17+$0x510]  }
0x121: {  	v23 =	vld [tilespmem:s17+$0x8510];
	v35 =	vadd.f32 v34, v35  }
0x122: {  	v27 =	vld [tilespmem:s17+$0x430]  }
0x123: {  	v60 =	vmul.f32 v60, v59;
	v55 =	vmul.f32 v33, v36;
	v33 =	vld [tilespmem:s17+$0x8500];
	v50 =	vadd.f32 v3, v35  }
0x124: {  	v8 =	vmul.f32 v10, v8;
	v36 =	vld [tilespmem:s17+$0x420];
	v10 =	vmul.f32 v46, v63  }
0x125: {  	v46 =	vld [tilespmem:s17+$0x490];
	v50 =	vadd.f32 v56, v50;
	v56 =	vmul.f32 v61, v21;
	v61 =	vadd.f32 $0.0e+00, v55  }
0x126: {  	v63 =	vld [tilespmem:s17+$0x84C0]  }
0x127: {  	v0 =	vmul.f32 v0, v1;
	v37 =	vadd.f32 v37, v43;
	v1 =	vadd.f32 v60, v61;
	v61 =	vld [tilespmem:$0x1FFD0]  }
0x128: {  	v55 =	vld [tilespmem:s17+$0x4C0]  }
0x129: {  	v42 =	vmul.f32 v42, v45;
	v45 =	vld [tilespmem:s17+$0x480];
	v41 =	vmul.f32 v39, v41;
	v43 =	vadd.f32 v53, v37  }
0x12a: {  	v39 =	vld [tilespmem:s17+$0x8490];
	v0 =	vadd.f32 $0.0e+00, v0;
	(xrf2) =	vadd.scan.msk.f32 $0xffff, v50  }
0x12b: {  	v38 =	vmul.f32 v38, v40;
	v2 =	vmul.f32 v2, v57;
	v57 =	vadd.f32 $0.0e+00, v41;
	v41 =	vld [tilespmem:s17+$0x8400];
	(xrf2) =	vadd.scan.msk.f32 $0xffff, v43  }
0x12c: {  	v37 =	vld [tilespmem:s17+$0x8420];
	v53 =	vmul.f32 v62, v49;
	v0 =	vadd.f32 v10, v0;
	v62 =	vmul.f32 v58, v61  }
0x12d: {  	v38 =	vadd.f32 $0.0e+00, v38;
	v61 =	vmul.f32 v63, v55;
	v63 =	vld [tilespmem:$0x1FFF0]  }
0x12e: {  	v48 =	vadd.f32 v56, v48;
	v0 =	vadd.f32 v62, v0;
	v62 =	vld [tilespmem:$0x1FFE0]  }
0x12f: {  	v47 =	vmul.f32 v47, v51;
	v10 =	vld [tilespmem:s17+$0x8480];
	v42 =	vadd.f32 v42, v38  }
0x130: {  	v34 =	vld [tilespmem:s17+$0x4A0];
	v48 =	vadd.f32 v8, v48;
	v1 =	vadd.f32 v53, v1;
	v8 =	vmul.f32 v7, v6  }
0x131: {  	v38 =	vld [tilespmem:s17+$0x410];
	v49 =	vadd.f32 v47, v57;
	v56 =	vmul.f32 v11, v9  }
0x132: {  	v47 =	vld [tilespmem:s17+$0x400];
	v59 =	vadd.f32 v2, v42;
	v60 =	vmul.f32 v13, v12;
	v1 =	vadd.f32 v8, v1  }
0x133: {  	v35 =	vld [tilespmem:s17+$0x84A0];
	(xrf2) =	vadd.scan.msk.f32 $0xffff, v48;
	v58 =	vadd.f32 v56, v0;
	v3 =	vmul.f32 v63, v62  }
0x134: {  	v50 =	vmul.f32 v10, v45;
	v45 =	vld [tilespmem:s17+$0x440];
	v40 =	vadd.f32 v60, v59;
	v48 =	vmul.f32 v52, v44;
	(xrf2) =	vadd.scan.msk.f32 $0xffff, v1;
	v52, _, _ =	vpop (xrf2)  }
0x135: {  	s19 =	simm.s32 $0x2000;
	s18 =	simm.s32 $0x10400;
	v42 =	vmul.f32 v5, v4;
	v44 =	vld [tilespmem:s17+$0x8410];
	v51 =	vadd.f32 $0.0e+00, v61;
	(xrf2) =	vadd.scan.msk.f32 $0xffff, v58;
	v21, _, _ =	vpop (xrf2);
	v49 =	vadd.f32 v3, v49  }
.LBB2_2:
0x136: {  	v43 =	vld [tilespmem:s17+$0x8440]  }
0x137: {  	v55 =	vld [tilespmem:s17+$0x450]  }
0x138: {  	v56 =	vld [tilespmem:s17+$0x8450]  }
0x139: {  	v58 =	vld [tilespmem:s17+$0x8460]  }
0x13a: {  	v60 =	vld [tilespmem:s17+$0x470]  }
0x13b: {  	v62 =	vld [tilespmem:s17+$0x8470]  }
0x13c: {  	v4 =	vld [tilespmem:s17+$0x8520]  }
0x13d: {  	v6 =	vld [tilespmem:s17+$0x530]  }
0x13e: {  	v7 =	vld [tilespmem:s17+$0x8530]  }
0x13f: {  	v15 =	vmul.f32 v16, v15;
	v16 =	vld [tilespmem:s17+$0x86A0]  }
0x140: {  	v9 =	vld [tilespmem:$0x1FF80]  }
0x141: {  	v10 =	vld [tilespmem:$0x1FF90]  }
0x142: {  	v13 =	vld [tilespmem:s17+$0x6B0]  }
0x143: {  	v11 =	vld [tilespmem:$0x1FFA0];
	v31 =	vmul.f32 v31, v30  }
0x144: {  	v48 =	vadd.f32 v48, v51;
	(xrf2) =	vadd.scan.msk.f32 $0xffff, v40;
	v40 =	vld [tilespmem:$0x1FF20];
	v39 =	vmul.f32 v39, v46;
	v41 =	vmul.f32 v41, v47  }
0x145: {  	v50 =	vadd.f32 $0.0e+00, v50;
	v0 =	vmul.f32 v26, v54;
	v26 =	vld [tilespmem:s17+$0x460];
	v34 =	vmul.f32 v35, v34  }
0x146: {  	v42 =	vadd.f32 v42, v49;
	v1 =	vmul.f32 v44, v38;
	v22 =	vmul.f32 v23, v14;
	v23 =	vld [tilespmem:s17+$0x85E0]  }
0x147: {  	v27 =	vmul.f32 v29, v27;
	v18 =	vmul.f32 v19, v18;
	v19 =	vld [tilespmem:s17+$0x5F0];
	v31 =	vadd.f32 v31, v48  }
0x148: {  	v29 =	vmul.f32 v33, v32;
	v32 =	vld [tilespmem:$0x1FF60];
	v39 =	vadd.f32 v39, v50;
	v57 =	vadd.f32 $0.0e+00, v41  }
0x149: {  	v25 =	vmul.f32 v28, v25;
	v33 =	vld [tilespmem:$0x1FF70];
	v30, _, _ =	vpop (xrf2);
	(xrf2) =	vadd.scan.msk.f32 $0xffff, v42;
	v59 =	vmul.f32 v43, v45;
	v31 =	vadd.f32 v0, v31  }
0x14a: {  	v61 =	vmul.f32 v37, v36;
	v35 =	vld [tilespmem:$0x1FF30];
	v34 =	vadd.f32 v34, v39;
	v28 =	vadd.f32 v1, v57  }
0x14b: {  	v36 =	vld [tilespmem:$0x1FF40];
	v63 =	vmul.f32 v56, v55;
	v24, _, _ =	vpop (xrf2);
	(xrf2) =	vadd.scan.msk.f32 $0xffff, v31;
	v31 =	vadd.f32 $0.0e+00, v59  }
0x14c: {  	v37 =	vld [tilespmem:$0x1FF50];
	v25 =	vadd.f32 v25, v34;
	v5 =	vadd.f32 v61, v28  }
0x14d: {  	v44 =	vld [tilespmem:$0x1FEF0];
	v26 =	vmul.f32 v58, v26;
	v31 =	vadd.f32 v63, v31  }
0x14e: {  	v47 =	vld [tilespmem:$0x1FED0];
	v38, _, _ =	vpop (xrf2);
	(xrf2) =	vadd.scan.msk.f32 $0xffff, v25;
	v25 =	vadd.f32 v27, v5;
	v27 =	vadd.f32 $0.0e+00, v29  }
0x14f: {  	v42 =	vld [tilespmem:$0x1FF00];
	v29 =	vmul.f32 v62, v60;
	v8 =	vadd.f32 v26, v31  }
0x150: {  	v20 =	vmul.f32 v4, v20;
	v12 =	vmul.f32 v10, v9;
	v22 =	vadd.f32 v22, v27;
	v27 =	vld [tilespmem:s17+$0x85F0]  }
0x151: {  	v43 =	vld [tilespmem:$0x1FEE0];
	v18 =	vadd.f32 $0.0e+00, v18;
	v28, _, _ =	vpop (xrf2);
	(xrf2) =	vadd.scan.msk.f32 $0xffff, v25;
	v25 =	vadd.f32 v29, v8  }
0x152: {  	v2 =	vmul.f32 v7, v6;
	v12 =	vadd.f32 $0.0e+00, v12;
	v39 =	vld [tilespmem:$0x1FF10];
	v20 =	vadd.f32 v20, v22  }
0x153: {  	v15 =	vadd.f32 v15, v18;
	v18 =	vld [tilespmem:s17+$0x86B0];
	v14 =	vmul.f32 v23, v11;
	v10 =	vmul.f32 v33, v32;
	v26, _, _ =	vpop (xrf2);
	(xrf2) =	vadd.scan.msk.f32 $0xffff, v25  }
0x154: {  	v11 =	vld [tilespmem:s17+$0x8760];
	v7 =	vmul.f32 v36, v35;
	v20 =	vadd.f32 v2, v20  }
0x155: {  	v14 =	vadd.f32 v14, v15;
	v10 =	vadd.f32 v10, v12;
	v12 =	vld [tilespmem:s17+$0x8770];
	v34 =	vmul.f32 v27, v19  }
0x156: {  	v9 =	vmul.f32 v16, v37;
	v8 =	vld [tilespmem:s17+$0x770];
	v22, _, _ =	vpop (xrf2);
	(xrf2) =	vadd.scan.msk.f32 $0xffff, v20  }
0x157: {  	v6 =	vld [tilespmem:s17+$0x7E0];
	v7 =	vadd.f32 $0.0e+00, v7;
	v5 =	vmul.f32 v40, v39;
	v14 =	vadd.f32 v34, v14  }
0x158: {  	v16 =	vadd.f32 v9, v10;
	v41 =	vmul.f32 v18, v13;
	v13 =	vld [tilespmem:s17+$0x87E0]  }
0x159: {  	v3 =	vld [tilespmem:s17+$0x7F0];
	v45 =	vmul.f32 v44, v43;
	v4 =	vmul.f32 v11, v42;
	v5 =	vadd.f32 v5, v7;
	v15, _, _ =	vpop (xrf2);
	(xrf2) =	vadd.scan.msk.f32 $0xffff, v14  }
0x15a: {  	v48 =	vld [tilespmem:s17+$0x87F0];
	v0 =	vmul.f32 v47, v17;
	v46 =	vadd.f32 v41, v16  }
0x15b: {  	v4 =	vadd.f32 v4, v5;
	v2 =	vadd.f32 $0.0e+00, v45;
	v8 =	vmul.f32 v12, v8  }
0x15c: {  	v49, _, _ =	vpop (xrf2);
	(xrf2) =	vadd.scan.msk.f32 $0xffff, v46  }
0x15d: {  	v50 =	vmul.f32 v13, v6;
	v0 =	vadd.f32 v0, v2;
	v8 =	vadd.f32 v8, v4;
	v51, _, _ =	vpop (xrf2)  }
0x15e: {  	v53 =	vbroadcast v49, $0xF;
	v5 =	vbroadcast v51, $0xF  }
0x15f: {  	v1 =	vmul.f32 v48, v3;
	v0 =	vadd.f32 v50, v0;
	v54 =	vbroadcast v15, $0xF;
	(xrf2) =	vadd.scan.msk.f32 $0xffff, v8  }
0x160: {  	v56 =	vbroadcast v22, $0xF;
	v57, _, _ =	vpop (xrf2);
	v55 =	vsel vm0, v53, v5  }
0x161: {  	v0 =	vadd.f32 v1, v0;
	v58 =	vbroadcast v57, $0xF;
	v2 =	vsel vm1, v55, v54  }
0x162: {  	v60 =	vbroadcast v26, $0xF;
	v59 =	vsel vm2, v2, v56  }
0x163: {  	v61 =	vbroadcast v28, $0xF;
	v62, _, _ =	vpop (xrf2);
	(xrf2) =	vadd.scan.msk.f32 $0xffff, v0;
	v1 =	vsel vm3, v59, v58  }
0x164: {  	v6 =	vbroadcast v62, $0xF;
	v63 =	vsel vm4, v1, v60  }
0x165: {  	v7 =	vbroadcast v38, $0xF;
	v0 =	vsel vm5, v63, v61  }
0x166: {  	v8 =	vbroadcast v24, $0xF;
	v9, _, _ =	vpop (xrf2);
	v0 =	vsel vm6, v0, v6  }
0x167: {  	v10 =	vbroadcast v9, $0xF;
	v0 =	vsel vm7, v0, v7  }
0x168: {  	v11 =	vbroadcast v30, $0xF;
	v0 =	vsel vm8, v0, v8  }
0x169: {  	v32 =	vbroadcast v21, $0xF;
	v33, _, _ =	vpop (xrf2);
	v0 =	vsel vm9, v0, v10  }
0x16a: {  	v3 =	vbroadcast v33, $0xF;
	v0 =	vsel vm10, v0, v11  }
0x16b: {  	v34 =	vbroadcast v52, $0xF;
	v0 =	vsel vm11, v0, v32  }
0x16c: {  	v0 =	vsel vm12, v0, v3  }
0x16d: {  	v35, _, _ =	vpop (xrf2);
	v0 =	vsel vm13, v0, v34  }
0x16e: {  	s18 =	sadd.s32 $0x10, s18;
	v0 =	vsel vm14, v0, v35  }
0x16f: {  	s17 =	sshra.s32 s19, $0x2;
	[tilespmem:s18+$0x0] =	vst v0  }
0x170: {  	v32 =	vld [tilespmem:s17+$0x7B0]  }
0x171: {  	v35 =	vld [tilespmem:s17+$0x87B0]  }
0x172: {  	v0 =	vld [tilespmem:s17+$0x7D0]  }
0x173: {  	v36 =	vld [tilespmem:s17+$0x87D0]  }
0x174: {  	v29 =	vld [tilespmem:s17+$0x7A0]  }
0x175: {  	v34 =	vld [tilespmem:s17+$0x87A0]  }
0x176: {  	v37 =	vld [tilespmem:s17+$0x7C0]  }
0x177: {  	v38 =	vld [tilespmem:s17+$0x87C0]  }
0x178: {  	v33 =	vld [tilespmem:s17+$0x730]  }
0x179: {  	v39 =	vld [tilespmem:s17+$0x760]  }
0x17a: {  	v27 =	vld [tilespmem:s17+$0x790]  }
0x17b: {  	v52 =	vld [tilespmem:s17+$0x8790]  }
0x17c: {  	v40 =	vld [tilespmem:s17+$0x6F0]  }
0x17d: {  	v41 =	vld [tilespmem:s17+$0x86F0]  }
0x17e: {  	v47 =	vld [tilespmem:s17+$0x720]  }
0x17f: {  	v48 =	vld [tilespmem:s17+$0x8720]  }
0x180: {  	v42 =	vld [tilespmem:s17+$0x750]  }
0x181: {  	v43 =	vld [tilespmem:s17+$0x8750]  }
0x182: {  	v23 =	vld [tilespmem:s17+$0x780]  }
0x183: {  	v62 =	vld [tilespmem:s17+$0x8780]  }
0x184: {  	v46 =	vld [tilespmem:s17+$0x86E0]  }
0x185: {  	v57 =	vld [tilespmem:s17+$0x710]  }
0x186: {  	v60 =	vld [tilespmem:s17+$0x8710]  }
0x187: {  	v44 =	vld [tilespmem:s17+$0x740]  }
0x188: {  	v45 =	vld [tilespmem:s17+$0x8740]  }
0x189: {  	v49 =	vld [tilespmem:s17+$0x6A0]  }
0x18a: {  	v58 =	vld [tilespmem:s17+$0x6D0]  }
0x18b: {  	v61 =	vld [tilespmem:s17+$0x86D0]  }
0x18c: {  	v63 =	vld [tilespmem:s17+$0x700]  }
0x18d: {  	v50 =	vld [tilespmem:s17+$0x630]  }
0x18e: {  	v51 =	vld [tilespmem:s17+$0x8630]  }
0x18f: {  	v53 =	vld [tilespmem:s17+$0x690]  }
0x190: {  	v54 =	vld [tilespmem:s17+$0x8690]  }
0x191: {  	v1 =	vld [tilespmem:s17+$0x6C0]  }
0x192: {  	v2 =	vld [tilespmem:s17+$0x86C0]  }
0x193: {  	v3 =	vld [tilespmem:s17+$0x650]  }
0x194: {  	v4 =	vld [tilespmem:s17+$0x8650]  }
0x195: {  	v55 =	vld [tilespmem:s17+$0x680]  }
0x196: {  	v56 =	vld [tilespmem:s17+$0x8680]  }
0x197: {  	v59 =	vld [tilespmem:s17+$0x5E0]  }
0x198: {  	v5 =	vld [tilespmem:s17+$0x610]  }
0x199: {  	v6 =	vld [tilespmem:s17+$0x8610]  }
0x19a: {  	v7 =	vld [tilespmem:s17+$0x640]  }
0x19b: {  	v8 =	vld [tilespmem:s17+$0x8640]  }
0x19c: {  	v21 =	vld [tilespmem:s17+$0x5D0]  }
0x19d: {  	v9 =	vld [tilespmem:s17+$0x600]  }
0x19e: {  	v10 =	vld [tilespmem:s17+$0x8600]  }
0x19f: {  	v11 =	vld [tilespmem:s17+$0x590]  }
0x1a0: {  	v12 =	vld [tilespmem:s17+$0x8590]  }
0x1a1: {  	v22 =	vld [tilespmem:s17+$0x5C0]  }
0x1a2: {  	v19 =	vld [tilespmem:s17+$0x85C0]  }
0x1a3: {  	v26 =	vld [tilespmem:s17+$0x84F0]  }
0x1a4: {  	v20 =	vld [tilespmem:s17+$0x520]  }
0x1a5: {  	v13 =	vld [tilespmem:s17+$0x550]  }
0x1a6: {  	v24 =	vld [tilespmem:s17+$0x8550]  }
0x1a7: {  	v15 =	vld [tilespmem:s17+$0x580]  }
0x1a8: {  	v16 =	vld [tilespmem:s17+$0x8580]  }
0x1a9: {  	v25 =	vld [tilespmem:s17+$0x4B0]  }
0x1aa: {  	v28 =	vld [tilespmem:s17+$0x84B0]  }
0x1ab: {  	v30 =	vld [tilespmem:s17+$0x4E0]  }
0x1ac: {  	v31 =	vld [tilespmem:s17+$0x84E0]  }
0x1ad: {  	v14 =	vld [tilespmem:s17+$0x510]  }
0x1ae: {  	v18 =	vld [tilespmem:s17+$0x540]  }
0x1af: {  	v17 =	vld [tilespmem:s17+$0x8540]  }
0x1b0: {  	[tilespmem:$0x1FED0] =	vst v36;
	v36 =	vld [tilespmem:s17+$0x8730]  }
0x1b1: {  	[tilespmem:$0x1FEE0] =	vst v37;
	v37 =	vld [tilespmem:s17+$0x6E0]  }
0x1b2: {  	[tilespmem:$0x1FF00] =	vst v39;
	v39 =	vld [tilespmem:s17+$0x670]  }
0x1b3: {  	[tilespmem:$0x1FD50] =	vst v41;
	v41 =	vld [tilespmem:s17+$0x8670]  }
0x1b4: {  	[tilespmem:$0x1FD60] =	vst v0;
	v0 =	vld [tilespmem:s17+$0x8700]  }
0x1b5: {  	[tilespmem:$0x1FD80] =	vst v51;
	v51 =	vld [tilespmem:s17+$0x660]  }
0x1b6: {  	[tilespmem:$0x1FEF0] =	vst v38;
	v38 =	vld [tilespmem:s17+$0x8660]  }
0x1b7: {  	[tilespmem:$0x1FF50] =	vst v49;
	v49 =	vld [tilespmem:s17+$0x620]  }
0x1b8: {  	[tilespmem:$0x1FD70] =	vst v50;
	v50 =	vld [tilespmem:s17+$0x8620]  }
0x1b9: {  	[tilespmem:$0x1FF30] =	vst v44;
	v44 =	vld [tilespmem:s17+$0x5B0]  }
0x1ba: {  	[tilespmem:$0x1FF40] =	vst v45;
	v45 =	vld [tilespmem:s17+$0x85B0]  }
0x1bb: {  	[tilespmem:$0x1FF10] =	vst v42;
	v42 =	vld [tilespmem:s17+$0x570]  }
0x1bc: {  	[tilespmem:$0x1FF20] =	vst v43;
	v43 =	vld [tilespmem:s17+$0x8570]  }
0x1bd: {  	[tilespmem:$0x1FF90] =	vst v56;
	v56 =	vld [tilespmem:s17+$0x5A0]  }
0x1be: {  	[tilespmem:$0x1FFA0] =	vst v59;
	v59 =	vld [tilespmem:s17+$0x85A0]  }
0x1bf: {  	[tilespmem:$0x1FF60] =	vst v53;
	v53 =	vld [tilespmem:s17+$0x85D0]  }
0x1c0: {  	[tilespmem:$0x1FD40] =	vst v40;
	v40 =	vld [tilespmem:s17+$0x560]  }
0x1c1: {  	[tilespmem:$0x1FF80] =	vst v55;
	v55 =	vld [tilespmem:s17+$0x8560]  }
0x1c2: {  	[tilespmem:$0x1FF70] =	vst v54;
	v54 =	vld [tilespmem:s17+$0x4F0]  }
0x1c3: {  	v62 =	vmul.f32 v62, v23;
	v23 =	vld [tilespmem:s17+$0x8510]  }
0x1c4: {  	v52 =	vmul.f32 v52, v27;
	v27 =	vld [tilespmem:s17+$0x430];
	v57 =	vmul.f32 v60, v57  }
0x1c5: {  	v1 =	vmul.f32 v2, v1;
	v32 =	vmul.f32 v35, v32;
	v35 =	vld [tilespmem:s17+$0x84A0];
	v62 =	vadd.f32 $0.0e+00, v62  }
0x1c6: {  	v47 =	vmul.f32 v48, v47;
	v48 =	vld [tilespmem:s17+$0x4D0];
	v60 =	vmul.f32 v61, v58  }
0x1c7: {  	v1 =	vadd.f32 $0.0e+00, v1;
	v52 =	vadd.f32 v52, v62;
	v62 =	vmul.f32 v34, v29;
	v29 =	vld [tilespmem:s17+$0x8430]  }
0x1c8: {  	v34 =	vld [tilespmem:s17+$0x4A0]  }
0x1c9: {  	v1 =	vadd.f32 v60, v1;
	v60 =	vmul.f32 v6, v5;
	v5 =	vld [tilespmem:s17+$0x4C0];
	v0 =	vmul.f32 v0, v63  }
0x1ca: {  	v61 =	vmul.f32 v36, v33;
	v33 =	vld [tilespmem:s17+$0x8500]  }
0x1cb: {  	v36 =	vld [tilespmem:s17+$0x420];
	v0 =	vadd.f32 $0.0e+00, v0  }
0x1cc: {  	v7 =	vmul.f32 v8, v7;
	v37 =	vmul.f32 v46, v37;
	v46 =	vld [tilespmem:$0x1FD40];
	v63 =	vadd.f32 v62, v52  }
0x1cd: {  	v52 =	vmul.f32 v38, v51;
	v51 =	vmul.f32 v17, v18;
	v17 =	vld [tilespmem:$0x1FD60];
	v0 =	vadd.f32 v57, v0  }
0x1ce: {  	v3 =	vmul.f32 v4, v3;
	v62 =	vadd.f32 $0.0e+00, v7;
	v38 =	vld [tilespmem:s17+$0x410];
	v2 =	vadd.f32 v32, v63  }
0x1cf: {  	v1 =	vadd.f32 v37, v1;
	v37 =	vld [tilespmem:s17+$0x8420];
	v0 =	vadd.f32 v47, v0  }
0x1d0: {  	(xrf2) =	vadd.scan.msk.f32 $0xffff, v2;
	v2 =	vadd.f32 v3, v62;
	v47 =	vld [tilespmem:$0x1FD50]  }
0x1d1: {  	v32 =	vld [tilespmem:s17+$0x500];
	v0 =	vadd.f32 v61, v0  }
0x1d2: {  	v63 =	vmul.f32 v10, v9;
	v2 =	vadd.f32 v52, v2;
	v52 =	vld [tilespmem:$0x1FD70]  }
0x1d3: {  	v61 =	vmul.f32 v16, v15;
	v16 =	vmov v53;
	v53 =	vld [tilespmem:$0x1FD80];
	(xrf2) =	vadd.scan.msk.f32 $0xffff, v0  }
0x1d4: {  	v9 =	vld [tilespmem:s17+$0x8480];
	v58 =	vadd.f32 $0.0e+00, v63;
	v62 =	vmul.f32 v41, v39  }
0x1d5: {  	v42 =	vmul.f32 v43, v42;
	v63 =	vld [tilespmem:s17+$0x84C0];
	v7 =	vmul.f32 v47, v46  }
0x1d6: {  	v57 =	vld [tilespmem:s17+$0x84D0];
	v2 =	vadd.f32 v62, v2;
	v0 =	vadd.f32 v60, v58;
	v47 =	vmul.f32 v50, v49  }
0x1d7: {  	v39 =	vld [tilespmem:s17+$0x8490];
	v49 =	vadd.f32 $0.0e+00, v61;
	v50 =	vmul.f32 v12, v11;
	v1 =	vadd.f32 v7, v1  }
0x1d8: {  	p0 =	sne.s32 s19, $0x1F000;
	v3 =	vld [tilespmem:s17+$0x480];
	v58 =	vmul.f32 v59, v56;
	v0 =	vadd.f32 v47, v0;
	v4 =	vmul.f32 v53, v52  }
.Ltmp0:
0x1d9: {  	v41 =	vld [tilespmem:s17+$0x8400];
	v59 =	vadd.f32 $0.0e+00, v51;
	v60 =	vmul.f32 v24, v13;
	(xrf2) =	vadd.scan.msk.f32 $0xffff, v1;
	v1 =	vadd.f32 v50, v49;
	(pc) =	sbr.rel @p0 .LBB2_2-.Ltmp0, $4  }
0x1da: {  	v18 =	vmovc v22;
	v62 =	vmul.f32 v45, v44;
	v44 =	vld [tilespmem:s17+$0x8410];
	v61 =	vmul.f32 v63, v5;
	v0 =	vadd.f32 v4, v0  }
0x1db: {  	v45 =	vld [tilespmem:s17+$0x440];
	v63 =	vmul.f32 v55, v40;
	(xrf2) =	vadd.scan.msk.f32 $0xffff, v2;
	v2 =	vadd.f32 v60, v59;
	v1 =	vadd.f32 v58, v1  }
0x1dc: {  	v15 =	vmov v21;
	v48 =	vmul.f32 v57, v48;
	v46 =	vld [tilespmem:s17+$0x490];
	v51 =	vadd.f32 $0.0e+00, v61;
	v52, _, _ =	vpop (xrf2)  }
0x1dd: {  	s19 =	sadd.s32 $0x1000, s19;
	v47 =	vld [tilespmem:s17+$0x400];
	v50 =	vmul.f32 v9, v3;
	(xrf2) =	vadd.scan.msk.f32 $0xffff, v0;
	v49 =	vadd.f32 v63, v2;
	v40 =	vadd.f32 v62, v1;
	v21, _, _ =	vpop (xrf2)  }
0x1de: {  	v0 =	vld [tilespmem:s17+$0x8440]  }
0x1df: {  	v2 =	vld [tilespmem:s17+$0x450]  }
0x1e0: {  	v6 =	vld [tilespmem:s17+$0x8450]  }
0x1e1: {  	v9 =	vld [tilespmem:s17+$0x460]  }
0x1e2: {  	v11 =	vld [tilespmem:s17+$0x8460]  }
0x1e3: {  	v12 =	vld [tilespmem:s17+$0x470]  }
0x1e4: {  	v24 =	vmul.f32 v26, v54;
	v26 =	vld [tilespmem:s17+$0x8470]  }
0x1e5: {  	v25 =	vmul.f32 v28, v25;
	v28 =	vld [tilespmem:s17+$0x8520]  }
0x1e6: {  	v7 =	vmul.f32 v31, v30;
	v31 =	vld [tilespmem:s17+$0x530]  }
0x1e7: {  	v30 =	vmul.f32 v33, v32;
	v33 =	vld [tilespmem:s17+$0x8530]  }
0x1e8: {  	v13 =	vmul.f32 v37, v36;
	v36 =	vld [tilespmem:s17+$0x85E0]  }
0x1e9: {  	v4 =	vadd.f32 v48, v51;
	v48 =	vld [tilespmem:$0x1FF90]  }
0x1ea: {  	v51 =	vld [tilespmem:s17+$0x86B0]  }
0x1eb: {  	v55 =	vld [tilespmem:$0x1FF60]  }
0x1ec: {  	v56 =	vld [tilespmem:$0x1FF70]  }
0x1ed: {  	v57 =	vld [tilespmem:s17+$0x8760]  }
0x1ee: {  	v60 =	vld [tilespmem:$0x1FF30]  }
0x1ef: {  	v22 =	vmul.f32 v35, v34;
	v34 =	vmul.f32 v29, v27;
	v61 =	vld [tilespmem:$0x1FF40]  }
0x1f0: {  	v35 =	vmul.f32 v23, v14;
	v62 =	vld [tilespmem:s17+$0x770];
	v3 =	vadd.f32 $0.0e+00, v50;
	v5 =	vmul.f32 v41, v47  }
0x1f1: {  	v8 =	vadd.f32 v42, v49;
	v42 =	vld [tilespmem:s17+$0x85F0];
	v1 =	vmul.f32 v39, v46;
	v0 =	vmul.f32 v0, v45  }
0x1f2: {  	v10 =	vmul.f32 v44, v38;
	v49 =	vld [tilespmem:s17+$0x6B0];
	v4 =	vadd.f32 v7, v4;
	v5 =	vadd.f32 $0.0e+00, v5  }
0x1f3: {  	v50 =	vld [tilespmem:$0x1FFA0];
	v1 =	vadd.f32 v1, v3;
	v2 =	vmul.f32 v6, v2;
	v0 =	vadd.f32 $0.0e+00, v0  }
0x1f4: {  	v38 =	vmul.f32 v19, v18;
	v39 =	vld [tilespmem:s17+$0x5F0];
	v4 =	vadd.f32 v24, v4;
	v5 =	vadd.f32 v10, v5  }
0x1f5: {  	v47 =	vld [tilespmem:$0x1FF80];
	v32 =	vmul.f32 v11, v9;
	v1 =	vadd.f32 v22, v1;
	v0 =	vadd.f32 v2, v0  }
0x1f6: {  	(xrf2) =	vadd.scan.msk.f32 $0xffff, v40;
	v3 =	vadd.f32 $0.0e+00, v30;
	v37 =	vmul.f32 v26, v12;
	v45 =	vld [tilespmem:s17+$0x86A0];
	v5 =	vadd.f32 v13, v5  }
0x1f7: {  	(xrf2) =	vadd.scan.msk.f32 $0xffff, v8;
	v41 =	vmul.f32 v28, v20;
	v20 =	vld [tilespmem:$0x1FF50];
	v1 =	vadd.f32 v25, v1;
	v0 =	vadd.f32 v32, v0  }
0x1f8: {  	v44 =	vmul.f32 v16, v15;
	v26 =	vld [tilespmem:$0x1FF20];
	(xrf2) =	vadd.scan.msk.f32 $0xffff, v4;
	v3 =	vadd.f32 v35, v3;
	v40 =	vadd.f32 v34, v5  }
0x1f9: {  	v43 =	vadd.f32 $0.0e+00, v38;
	v46 =	vmul.f32 v33, v31;
	v33 =	vld [tilespmem:$0x1FEE0];
	(xrf2) =	vadd.scan.msk.f32 $0xffff, v1;
	v0 =	vadd.f32 v37, v0  }
0x1fa: {  	v3 =	vadd.f32 v41, v3;
	v25 =	vld [tilespmem:$0x1FF10];
	v5 =	vmul.f32 v48, v47;
	(xrf2) =	vadd.scan.msk.f32 $0xffff, v40  }
0x1fb: {  	v2 =	vmul.f32 v36, v50;
	v1 =	vadd.f32 v44, v43;
	v32 =	vld [tilespmem:$0x1FF00];
	(xrf2) =	vadd.scan.msk.f32 $0xffff, v0  }
0x1fc: {  	v4 =	vmul.f32 v56, v55;
	v53 =	vadd.f32 v46, v3;
	v34 =	vld [tilespmem:$0x1FEF0];
	v54 =	vadd.f32 $0.0e+00, v5  }
0x1fd: {  	v58, _, _ =	vpop (xrf2);
	v6 =	vmul.f32 v61, v60;
	v22 =	vld [tilespmem:s17+$0x8770];
	v59 =	vmul.f32 v42, v39;
	v1 =	vadd.f32 v2, v1  }
0x1fe: {  	v63, _, _ =	vpop (xrf2);
	v37 =	vld [tilespmem:$0x1FED0];
	v3 =	vadd.f32 v4, v54;
	v4 =	vmul.f32 v45, v20;
	(xrf2) =	vadd.scan.msk.f32 $0xffff, v53  }
0x1ff: {  	v27 =	vld [tilespmem:s17+$0x7E0];
	v24 =	vadd.f32 $0.0e+00, v6;
	v23, _, _ =	vpop (xrf2);
	v6 =	vmul.f32 v26, v25;
	v1 =	vadd.f32 v59, v1  }
0x200: {  	v30 =	vld [tilespmem:s17+$0x87E0];
	v29 =	vmul.f32 v51, v49;
	v28, _, _ =	vpop (xrf2);
	v3 =	vadd.f32 v4, v3  }
0x201: {  	v38 =	vld [tilespmem:s17+$0x87F0];
	v31, _, _ =	vpop (xrf2);
	v2 =	vadd.f32 v6, v24;
	v5 =	vmul.f32 v57, v32;
	v6 =	vmul.f32 v34, v33;
	(xrf2) =	vadd.scan.msk.f32 $0xffff, v1  }
0x202: {  	v35 =	vld [tilespmem:s17+$0x7F0];
	v40 =	vmul.f32 v22, v62;
	v36, _, _ =	vpop (xrf2);
	v3 =	vadd.f32 v29, v3  }
0x203: {  	v4 =	vmul.f32 v37, v17;
	v2 =	vadd.f32 v5, v2;
	v6 =	vadd.f32 $0.0e+00, v6;
	v39, _, _ =	vpop (xrf2)  }
0x204: {  	(xrf2) =	vadd.scan.msk.f32 $0xffff, v3;
	v41, _, _ =	vpop (xrf2)  }
0x205: {  	v43 =	vmul.f32 v30, v27;
	v2 =	vadd.f32 v40, v2;
	v42 =	vadd.f32 v4, v6;
	v44, _, _ =	vpop (xrf2)  }
0x206: {  	v45 =	vbroadcast v41, $0xF;
	v5 =	vbroadcast v44, $0xF  }
0x207: {  	v47 =	vmul.f32 v38, v35;
	v46 =	vbroadcast v39, $0xF;
	v3 =	vadd.f32 v43, v42;
	(xrf2) =	vadd.scan.msk.f32 $0xffff, v2  }
0x208: {  	v1 =	vbroadcast v36, $0xF;
	v49, _, _ =	vpop (xrf2);
	v48 =	vsel vm0, v45, v5  }
0x209: {  	v3 =	vadd.f32 v47, v3;
	v5 =	vbroadcast v49, $0xF;
	v2 =	vsel vm1, v48, v46  }
0x20a: {  	v50 =	vbroadcast v31, $0xF;
	v1 =	vsel vm2, v2, v1  }
0x20b: {  	v51 =	vbroadcast v28, $0xF;
	v53, _, _ =	vpop (xrf2);
	(xrf2) =	vadd.scan.msk.f32 $0xffff, v3;
	v1 =	vsel vm3, v1, v5  }
0x20c: {  	v54 =	vbroadcast v53, $0xF;
	v1 =	vsel vm4, v1, v50  }
0x20d: {  	v0 =	vbroadcast v23, $0xF;
	v1 =	vsel vm5, v1, v51  }
0x20e: {  	v55 =	vbroadcast v63, $0xF;
	v56, _, _ =	vpop (xrf2);
	v1 =	vsel vm6, v1, v54  }
0x20f: {  	v57 =	vbroadcast v56, $0xF;
	v0 =	vsel vm7, v1, v0  }
0x210: {  	v58 =	vbroadcast v58, $0xF;
	v0 =	vsel vm8, v0, v55  }
0x211: {  	v59 =	vbroadcast v21, $0xF;
	v60, _, _ =	vpop (xrf2);
	v0 =	vsel vm9, v0, v57  }
0x212: {  	v61 =	vbroadcast v60, $0xF;
	v0 =	vsel vm10, v0, v58  }
0x213: {  	v62 =	vbroadcast v52, $0xF;
	v0 =	vsel vm11, v0, v59  }
0x214: {  	v0 =	vsel vm12, v0, v61  }
0x215: {  	s16 =	sadd.s32 $0x1, s16;
	v63, _, _ =	vpop (xrf2);
	v0 =	vsel vm13, v0, v62  }
0x216: {  	s31 =	sadd.s32 $0x10, s18;
	p0 =	sne.s32 s16, s8;
	v0 =	vsel vm14, v0, v63  }
.Ltmp1:
0x217: {  	[tilespmem:s31+$0x0] =	vst v0;
	(pc) =	sbr.rel @p0 .LBB2_1-.Ltmp1, $4  }
0x218: {  	[hbm4b:s7+s1] =	stream.linear.scatter [tilespmem:s15], [sflag:$0x3], $0x200, $0x38;
	[tilespmem:$0x10600] =	vst v63  }
0x219: {  	_ =	swait.ge [sflag:s9], $0x200  }
0x21a: {  	[sflag:s9] =	ssyncset.done $0x0  }
0x21b: {  	[sflag:s9] =	ssyncadd.s32 $0xFFFFFE00  }
0x21c: {  	_ =	sfence.sel $0x180000  }
0x21d: {  	[bflag:$0x0] =	sbarrier.arrive $0xFFFF  }
0x21e: {  	p0 =	sne.s32 s2, $0x0;
	_ =	strace $0x90000047  }
0x21f: {  	s0 =	sadd.s32 @!p0 $0x100000, s0;
	[bflag:$0x2] =	sbarrier.arrive $0xFFFF  }
0x220: {  	[sflag:s0] =	ssyncadd.tile.s32 @!p0 $0x1;
	_ =	shalt  }
.Lfunc_end2:
_tile_overlayer_lowered:
.L_overlay_start_2:
0x221: {  	(tag) =	ssettag $0x2  }
0x222: {  	s0 =	rddreg [dreg:$0x0];
	s2 =	stileid.u32  }
0x223: {  	s1 =	rddreg [dreg:$0x1];
	p0 =	sne.s32 s2, $0x0  }
0x224: {  	s3 =	rddreg [dreg:$0x2];
	[bflag:$0x3] =	sbarrier.arrive $0xFFFF;
	s2 =	simm.s32 @!p0 $0x1C03  }
0x225: {  	[timem:s3], [sflag:s2] =	dma.local @!p0 [hbm:s0], s1  }
0x226: {  	s0 =	simm.s32 @!p0 $0x3  }
0x227: {  	_ =	swait.ge @!p0 [sflag:s0], s1  }
0x228: {  	s1 =	ssub.s32 @!p0 $0x0, s1;
	[sflag:s0] =	ssyncset.done @!p0 $0x0  }
0x229: {  	[sflag:s0] =	ssyncadd.s32 @!p0 s1  }
0x22a: {  	[bflag:$0x3] =	sbarrier.arrive $0xFFFF  }
0x22b: {  	_ =	shalt  }

</sc_bundles>
